<compile_context>
chip_gen: v7x
topology: tpu7x:2x2x1
jax: 0.10.2.dev20260603
libtpu: 0.0.44.dev20260713+nightly
codegen_flags: <defaults>
</compile_context>

<pallas_src>
import functools

import jax
import jax.numpy as jnp
from jax import lax
from jax.experimental import pallas as pl
from jax.experimental.pallas import tpu as pltpu
from jax.experimental.pallas import tpu_sc as plsc

NC = 2
NS = 16
NW = NC * NS
IPD = 128
CHUNK = 256
K = CHUNK // IPD


def _make_gather(V, D, B):
  assert B % (NW * CHUNK) == 0
  rows_per_w = B // NW
  G = rows_per_w // CHUNK
  assert G >= 2 and G % 2 == 0
  mesh = plsc.VectorSubcoreMesh(core_axis_name="c", subcore_axis_name="s")

  @functools.partial(
      pl.kernel,
      mesh=mesh,
      compiler_params=pltpu.CompilerParams(use_tc_tiling_on_sc=True),
      out_type=jax.ShapeDtypeStruct((B, 2 * D), jnp.float32),
      scratch_types=[
          pltpu.VMEM((3 * CHUNK,), jnp.int32),
          pltpu.VMEM((3, CHUNK, 2 * D), jnp.float32),
          pltpu.SemaphoreType.DMA((3,)),
          pltpu.SemaphoreType.DMA((3,)),
      ],
  )
  def k(table_hbm, idx_hbm, out_hbm, idx_v, rows_v, gsem, ssem):
    wid = lax.axis_index("s") * NC + lax.axis_index("c")
    base = wid * rows_per_w

    def load_idx(g, b):
      pltpu.sync_copy(idx_hbm.at[pl.ds(base + g * CHUNK, CHUNK)],
                      idx_v.at[pl.ds(b * CHUNK, CHUNK)])

    def fire_gathers(b):
      for j in range(K):
        pltpu.async_copy(
            table_hbm.at[idx_v.at[pl.ds(b * CHUNK + j * IPD, IPD)]],
            rows_v.at[b, pl.ds(j * IPD, IPD)],
            gsem.at[b],
        )

    def drain_gathers(b):
      for _ in range(K):
        pltpu.make_async_copy(
            table_hbm.at[idx_v.at[pl.ds(b * CHUNK, IPD)]],
            rows_v.at[b, pl.ds(0, IPD)],
            gsem.at[b],
        ).wait()

    def store(g, b):
      pltpu.async_copy(
          rows_v.at[b],
          out_hbm.at[pl.ds(base + g * CHUNK, CHUNK)],
          ssem.at[b],
      )

    def drain_store(g, b):
      pltpu.make_async_copy(
          rows_v.at[b],
          out_hbm.at[pl.ds(base + g * CHUNK, CHUNK)],
          ssem.at[b],
      ).wait()

    for b in range(3):
      load_idx(b, b)
      fire_gathers(b)

    body = G - 3 - (G - 3) % 3

    def triple(u, carry):
      for j in range(3):
        g = 3 * u + j
        b = j
        drain_gathers(b)
        store(g, b)
        load_idx(g + 3, b)
        drain_store(g, b)
        fire_gathers(b)
      return carry

    lax.fori_loop(0, body // 3, triple, 0)

    for g in range(body, G):
      b = g % 3
      drain_gathers(b)
      store(g, b)
      if g + 3 < G:
        load_idx(g + 3, b)
        drain_store(g, b)
        fire_gathers(b)
    for g in range(max(body, G - 3), G):
      drain_store(g, g % 3)

  return k


def kernel(x, embedding):
  B = x.shape[0] * x.shape[1]
  V, D = embedding.shape
  table_p = jnp.pad(embedding, ((0, 0), (0, D)))
  idx = x.reshape(B).astype(jnp.int32)
  out = _make_gather(V, D, B)(table_p, idx)
  return out[:, :D].reshape(x.shape + (D,))

# --- scband reference (transcript-rebuilt; emitter-appended) ---
"""Pipeline reference for scband-embedding-layer-30580167148098 (READ-ONLY COPY).

The authoritative reference and input builder live on the scoring server;
editing this copy changes nothing except your own understanding.
"""

import jax, jax.numpy as jnp
import numpy as np

VOCAB = 1000000
DIM = 64
BATCH = 4096
HIST = 200

def setup_inputs(seed: int = 0) -> dict:
    key = jax.random.key(seed)
    k1, k2 = jax.random.split(key)
    x = jax.random.randint(k1, (BATCH, HIST), 0, VOCAB, dtype=jnp.int64 if jax.config.jax_enable_x64 else jnp.int32)
    # kaiming_uniform with a=sqrt(5) on (vocab, dim): bound = sqrt(6/((1+5)*fan_in)), fan_in=dim
    bound = np.sqrt(6.0 / (6.0 * DIM))
    embedding = jax.random.uniform(k2, (VOCAB, DIM), dtype=jnp.float32, minval=-bound, maxval=bound)
    return {"x": x, "embedding": embedding}

def reference(x, embedding):
    return embedding[x]

if __name__ == "__main__":
    import jax
    _d = setup_inputs()
    print(jax.jit(kernel)(*tuple(_d.values())))

</pallas_src>

<mosaic_0001>
#map = affine_map<(d0, d1) -> (0, 0)>
#map1 = affine_map<(d0, d1) -> (0)>
module attributes {stable_mosaic.version = 14 : i64} {
  func.func @k(%arg0: i32, %arg1: i32, %arg2: memref<1000000x128xf32, #tpu.memory_space<hbm>>, %arg3: memref<819200xi32, #tpu.memory_space<hbm>>, %arg4: memref<819200x128xf32, #tpu.memory_space<hbm>>, %arg5: memref<768xi32, #tpu.memory_space<vmem>>, %arg6: memref<3x256x128xf32, #tpu.memory_space<vmem>>, %arg7: memref<3x!tpu.dma_semaphore, #tpu.memory_space<semaphore_mem>>, %arg8: memref<3x!tpu.dma_semaphore, #tpu.memory_space<semaphore_mem>>) attributes {dimension_semantics = [#tpu.dimension_semantics<core_parallel>, #tpu.dimension_semantics<subcore_parallel>], iteration_bounds = array<i64: 2, 16>, scalar_prefetch = 0 : i64, scratch_operands = 4 : i64, tpu.core_type = #tpu.core_type<sc_vector_subcore>, window_params = [{transform_indices = #map}, {transform_indices = #map1}, {transform_indices = #map}]} {
    %mul3A = arith.constant 2 : i32
    %mul3A_0 = arith.muli %arg1, %mul3A : i32
    %add3A = arith.addi %mul3A_0, %arg0 : i32
    %mul3A_1 = arith.constant 25600 : i32
    %mul3A_2 = arith.muli %add3A, %mul3A_1 : i32
    %add3A_3 = arith.constant 0 : i32
    %add3A_4 = arith.addi %mul3A_2, %add3A_3 : i32
    "tpu.region"() ({
      %run_scoped3A = tpu.sem_alloc : memref<!tpu.dma_semaphore, #tpu.memory_space<semaphore_mem>>
      %dma_start3A_366 = arith.constant 0 : i32
      %dma_start3A_367 = tpu.memref_slice %arg5[%dma_start3A_366] : memref<768xi32, #tpu.memory_space<vmem>> -> memref<256xi32, #tpu.memory_space<vmem>>
      %dma_start3A_368 = tpu.memref_slice %arg3[%add3A_4] : memref<819200xi32, #tpu.memory_space<hbm>> -> memref<256xi32, #tpu.memory_space<hbm>>
      %dma_start3A_369 = arith.constant 0 : i32
      %dma_start3A_370 = tpu.memref_slice %arg5[%dma_start3A_369] : memref<768xi32, #tpu.memory_space<vmem>> -> memref<256xi32, #tpu.memory_space<vmem>>
      %dma_start3A_371 = tpu.memref_slice %arg3[%add3A_4] : memref<819200xi32, #tpu.memory_space<hbm>> -> memref<256xi32, #tpu.memory_space<hbm>>
      tpu.enqueue_dma source(%dma_start3A_371 : memref<256xi32, #tpu.memory_space<hbm>>) target(%dma_start3A_370 : memref<256xi32, #tpu.memory_space<vmem>>) target_semaphore(%run_scoped3A : memref<!tpu.dma_semaphore, #tpu.memory_space<semaphore_mem>>)
      %dma_wait3A_372 = arith.constant 0 : i32
      %dma_wait3A_373 = tpu.memref_slice %arg5[%dma_wait3A_372] : memref<768xi32, #tpu.memory_space<vmem>> -> memref<256xi32, #tpu.memory_space<vmem>>
      %dma_wait3A_374 = tpu.memref_slice %arg3[%add3A_4] : memref<819200xi32, #tpu.memory_space<hbm>> -> memref<256xi32, #tpu.memory_space<hbm>>
      %dma_wait3A_375 = arith.constant 0 : i32
      %dma_wait3A_376 = tpu.memref_slice %arg5[%dma_wait3A_375] : memref<768xi32, #tpu.memory_space<vmem>> -> memref<256xi32, #tpu.memory_space<vmem>>
      %dma_wait3A_377 = tpu.memref_slice %arg3[%add3A_4] : memref<819200xi32, #tpu.memory_space<hbm>> -> memref<256xi32, #tpu.memory_space<hbm>>
      tpu.wait_dma2 semaphore(%run_scoped3A : memref<!tpu.dma_semaphore, #tpu.memory_space<semaphore_mem>>) src(%dma_wait3A_377 : memref<256xi32, #tpu.memory_space<hbm>>) dst(%dma_wait3A_376 : memref<256xi32, #tpu.memory_space<vmem>>)
      tpu.yield
    }) : () -> ()
    %dma_start3A = arith.constant 0 : i32
    %dma_start3A_5 = arith.constant 0 : i32
    %dma_start3A_6 = arith.constant 0 : i32
    %dma_start3A_7 = arith.constant 0 : i32
    %dma_start3A_8 = tpu.memref_slice %arg6[%dma_start3A, %dma_start3A_6, %dma_start3A_7] : memref<3x256x128xf32, #tpu.memory_space<vmem>> -> memref<1x128x128xf32, #tpu.memory_space<vmem>>
    %dma_start3A_9 = tpu.memref_squeeze %dma_start3A_8 : memref<1x128x128xf32, #tpu.memory_space<vmem>> -> memref<128x128xf32, #tpu.memory_space<vmem>>
    %dma_start3A_10 = arith.constant 0 : i32
    %dma_start3A_11 = tpu.memref_slice %arg5[%dma_start3A_10] : memref<768xi32, #tpu.memory_space<vmem>> -> memref<128xi32, #tpu.memory_space<vmem>>
    %dma_start3A_12 = arith.constant 0 : i32
    %dma_start3A_13 = arith.constant 0 : i32
    %dma_start3A_14 = tpu.memref_slice %arg2[%dma_start3A_12, %dma_start3A_13] : memref<1000000x128xf32, #tpu.memory_space<hbm>> -> memref<1000000x128xf32, #tpu.memory_space<hbm>>
    %dma_start3A_15 = tpu.memref_slice %arg7[%dma_start3A_5] : memref<3x!tpu.dma_semaphore, #tpu.memory_space<semaphore_mem>> -> memref<1x!tpu.dma_semaphore, #tpu.memory_space<semaphore_mem>>
    %dma_start3A_16 = tpu.memref_squeeze %dma_start3A_15 : memref<1x!tpu.dma_semaphore, #tpu.memory_space<semaphore_mem>> -> memref<!tpu.dma_semaphore, #tpu.memory_space<semaphore_mem>>
    tpu.enqueue_indirect_dma source(%dma_start3A_14 : memref<1000000x128xf32, #tpu.memory_space<hbm>>) target(%dma_start3A_9 : memref<128x128xf32, #tpu.memory_space<vmem>>) offsets(%dma_start3A_11 : memref<128xi32, #tpu.memory_space<vmem>>) semaphore(%dma_start3A_16 : memref<!tpu.dma_semaphore, #tpu.memory_space<semaphore_mem>>)
    %dma_start3A_17 = arith.constant 0 : i32
    %dma_start3A_18 = arith.constant 0 : i32
    %dma_start3A_19 = arith.constant 128 : i32
    %dma_start3A_20 = arith.constant 0 : i32
    %dma_start3A_21 = tpu.memref_slice %arg6[%dma_start3A_17, %dma_start3A_19, %dma_start3A_20] : memref<3x256x128xf32, #tpu.memory_space<vmem>> -> memref<1x128x128xf32, #tpu.memory_space<vmem>>
    %dma_start3A_22 = tpu.memref_squeeze %dma_start3A_21 : memref<1x128x128xf32, #tpu.memory_space<vmem>> -> memref<128x128xf32, #tpu.memory_space<vmem>>
    %dma_start3A_23 = arith.constant 128 : i32
    %dma_start3A_24 = tpu.memref_slice %arg5[%dma_start3A_23] : memref<768xi32, #tpu.memory_space<vmem>> -> memref<128xi32, #tpu.memory_space<vmem>>
    %dma_start3A_25 = arith.constant 0 : i32
    %dma_start3A_26 = arith.constant 0 : i32
    %dma_start3A_27 = tpu.memref_slice %arg2[%dma_start3A_25, %dma_start3A_26] : memref<1000000x128xf32, #tpu.memory_space<hbm>> -> memref<1000000x128xf32, #tpu.memory_space<hbm>>
    %dma_start3A_28 = tpu.memref_slice %arg7[%dma_start3A_18] : memref<3x!tpu.dma_semaphore, #tpu.memory_space<semaphore_mem>> -> memref<1x!tpu.dma_semaphore, #tpu.memory_space<semaphore_mem>>
    %dma_start3A_29 = tpu.memref_squeeze %dma_start3A_28 : memref<1x!tpu.dma_semaphore, #tpu.memory_space<semaphore_mem>> -> memref<!tpu.dma_semaphore, #tpu.memory_space<semaphore_mem>>
    tpu.enqueue_indirect_dma source(%dma_start3A_27 : memref<1000000x128xf32, #tpu.memory_space<hbm>>) target(%dma_start3A_22 : memref<128x128xf32, #tpu.memory_space<vmem>>) offsets(%dma_start3A_24 : memref<128xi32, #tpu.memory_space<vmem>>) semaphore(%dma_start3A_29 : memref<!tpu.dma_semaphore, #tpu.memory_space<semaphore_mem>>)
    %add3A_30 = arith.constant 256 : i32
    %add3A_31 = arith.addi %mul3A_2, %add3A_30 : i32
    "tpu.region"() ({
      %run_scoped3A = tpu.sem_alloc : memref<!tpu.dma_semaphore, #tpu.memory_space<semaphore_mem>>
      %dma_start3A_366 = arith.constant 256 : i32
      %dma_start3A_367 = tpu.memref_slice %arg5[%dma_start3A_366] : memref<768xi32, #tpu.memory_space<vmem>> -> memref<256xi32, #tpu.memory_space<vmem>>
      %dma_start3A_368 = tpu.memref_slice %arg3[%add3A_31] : memref<819200xi32, #tpu.memory_space<hbm>> -> memref<256xi32, #tpu.memory_space<hbm>>
      %dma_start3A_369 = arith.constant 256 : i32
      %dma_start3A_370 = tpu.memref_slice %arg5[%dma_start3A_369] : memref<768xi32, #tpu.memory_space<vmem>> -> memref<256xi32, #tpu.memory_space<vmem>>
      %dma_start3A_371 = tpu.memref_slice %arg3[%add3A_31] : memref<819200xi32, #tpu.memory_space<hbm>> -> memref<256xi32, #tpu.memory_space<hbm>>
      tpu.enqueue_dma source(%dma_start3A_371 : memref<256xi32, #tpu.memory_space<hbm>>) target(%dma_start3A_370 : memref<256xi32, #tpu.memory_space<vmem>>) target_semaphore(%run_scoped3A : memref<!tpu.dma_semaphore, #tpu.memory_space<semaphore_mem>>)
      %dma_wait3A_372 = arith.constant 256 : i32
      %dma_wait3A_373 = tpu.memref_slice %arg5[%dma_wait3A_372] : memref<768xi32, #tpu.memory_space<vmem>> -> memref<256xi32, #tpu.memory_space<vmem>>
      %dma_wait3A_374 = tpu.memref_slice %arg3[%add3A_31] : memref<819200xi32, #tpu.memory_space<hbm>> -> memref<256xi32, #tpu.memory_space<hbm>>
      %dma_wait3A_375 = arith.constant 256 : i32
      %dma_wait3A_376 = tpu.memref_slice %arg5[%dma_wait3A_375] : memref<768xi32, #tpu.memory_space<vmem>> -> memref<256xi32, #tpu.memory_space<vmem>>
      %dma_wait3A_377 = tpu.memref_slice %arg3[%add3A_31] : memref<819200xi32, #tpu.memory_space<hbm>> -> memref<256xi32, #tpu.memory_space<hbm>>
      tpu.wait_dma2 semaphore(%run_scoped3A : memref<!tpu.dma_semaphore, #tpu.memory_space<semaphore_mem>>) src(%dma_wait3A_377 : memref<256xi32, #tpu.memory_space<hbm>>) dst(%dma_wait3A_376 : memref<256xi32, #tpu.memory_space<vmem>>)
      tpu.yield
    }) : () -> ()
    %dma_start3A_32 = arith.constant 1 : i32
    %dma_start3A_33 = arith.constant 1 : i32
    %dma_start3A_34 = arith.constant 0 : i32
    %dma_start3A_35 = arith.constant 0 : i32
    %dma_start3A_36 = tpu.memref_slice %arg6[%dma_start3A_32, %dma_start3A_34, %dma_start3A_35] : memref<3x256x128xf32, #tpu.memory_space<vmem>> -> memref<1x128x128xf32, #tpu.memory_space<vmem>>
    %dma_start3A_37 = tpu.memref_squeeze %dma_start3A_36 : memref<1x128x128xf32, #tpu.memory_space<vmem>> -> memref<128x128xf32, #tpu.memory_space<vmem>>
    %dma_start3A_38 = arith.constant 256 : i32
    %dma_start3A_39 = tpu.memref_slice %arg5[%dma_start3A_38] : memref<768xi32, #tpu.memory_space<vmem>> -> memref<128xi32, #tpu.memory_space<vmem>>
    %dma_start3A_40 = arith.constant 0 : i32
    %dma_start3A_41 = arith.constant 0 : i32
    %dma_start3A_42 = tpu.memref_slice %arg2[%dma_start3A_40, %dma_start3A_41] : memref<1000000x128xf32, #tpu.memory_space<hbm>> -> memref<1000000x128xf32, #tpu.memory_space<hbm>>
    %dma_start3A_43 = tpu.memref_slice %arg7[%dma_start3A_33] : memref<3x!tpu.dma_semaphore, #tpu.memory_space<semaphore_mem>> -> memref<1x!tpu.dma_semaphore, #tpu.memory_space<semaphore_mem>>
    %dma_start3A_44 = tpu.memref_squeeze %dma_start3A_43 : memref<1x!tpu.dma_semaphore, #tpu.memory_space<semaphore_mem>> -> memref<!tpu.dma_semaphore, #tpu.memory_space<semaphore_mem>>
    tpu.enqueue_indirect_dma source(%dma_start3A_42 : memref<1000000x128xf32, #tpu.memory_space<hbm>>) target(%dma_start3A_37 : memref<128x128xf32, #tpu.memory_space<vmem>>) offsets(%dma_start3A_39 : memref<128xi32, #tpu.memory_space<vmem>>) semaphore(%dma_start3A_44 : memref<!tpu.dma_semaphore, #tpu.memory_space<semaphore_mem>>)
    %dma_start3A_45 = arith.constant 1 : i32
    %dma_start3A_46 = arith.constant 1 : i32
    %dma_start3A_47 = arith.constant 128 : i32
    %dma_start3A_48 = arith.constant 0 : i32
    %dma_start3A_49 = tpu.memref_slice %arg6[%dma_start3A_45, %dma_start3A_47, %dma_start3A_48] : memref<3x256x128xf32, #tpu.memory_space<vmem>> -> memref<1x128x128xf32, #tpu.memory_space<vmem>>
    %dma_start3A_50 = tpu.memref_squeeze %dma_start3A_49 : memref<1x128x128xf32, #tpu.memory_space<vmem>> -> memref<128x128xf32, #tpu.memory_space<vmem>>
    %dma_start3A_51 = arith.constant 384 : i32
    %dma_start3A_52 = tpu.memref_slice %arg5[%dma_start3A_51] : memref<768xi32, #tpu.memory_space<vmem>> -> memref<128xi32, #tpu.memory_space<vmem>>
    %dma_start3A_53 = arith.constant 0 : i32
    %dma_start3A_54 = arith.constant 0 : i32
    %dma_start3A_55 = tpu.memref_slice %arg2[%dma_start3A_53, %dma_start3A_54] : memref<1000000x128xf32, #tpu.memory_space<hbm>> -> memref<1000000x128xf32, #tpu.memory_space<hbm>>
    %dma_start3A_56 = tpu.memref_slice %arg7[%dma_start3A_46] : memref<3x!tpu.dma_semaphore, #tpu.memory_space<semaphore_mem>> -> memref<1x!tpu.dma_semaphore, #tpu.memory_space<semaphore_mem>>
    %dma_start3A_57 = tpu.memref_squeeze %dma_start3A_56 : memref<1x!tpu.dma_semaphore, #tpu.memory_space<semaphore_mem>> -> memref<!tpu.dma_semaphore, #tpu.memory_space<semaphore_mem>>
    tpu.enqueue_indirect_dma source(%dma_start3A_55 : memref<1000000x128xf32, #tpu.memory_space<hbm>>) target(%dma_start3A_50 : memref<128x128xf32, #tpu.memory_space<vmem>>) offsets(%dma_start3A_52 : memref<128xi32, #tpu.memory_space<vmem>>) semaphore(%dma_start3A_57 : memref<!tpu.dma_semaphore, #tpu.memory_space<semaphore_mem>>)
    %add3A_58 = arith.constant 512 : i32
    %add3A_59 = arith.addi %mul3A_2, %add3A_58 : i32
    "tpu.region"() ({
      %run_scoped3A = tpu.sem_alloc : memref<!tpu.dma_semaphore, #tpu.memory_space<semaphore_mem>>
      %dma_start3A_366 = arith.constant 512 : i32
      %dma_start3A_367 = tpu.memref_slice %arg5[%dma_start3A_366] : memref<768xi32, #tpu.memory_space<vmem>> -> memref<256xi32, #tpu.memory_space<vmem>>
      %dma_start3A_368 = tpu.memref_slice %arg3[%add3A_59] : memref<819200xi32, #tpu.memory_space<hbm>> -> memref<256xi32, #tpu.memory_space<hbm>>
      %dma_start3A_369 = arith.constant 512 : i32
      %dma_start3A_370 = tpu.memref_slice %arg5[%dma_start3A_369] : memref<768xi32, #tpu.memory_space<vmem>> -> memref<256xi32, #tpu.memory_space<vmem>>
      %dma_start3A_371 = tpu.memref_slice %arg3[%add3A_59] : memref<819200xi32, #tpu.memory_space<hbm>> -> memref<256xi32, #tpu.memory_space<hbm>>
      tpu.enqueue_dma source(%dma_start3A_371 : memref<256xi32, #tpu.memory_space<hbm>>) target(%dma_start3A_370 : memref<256xi32, #tpu.memory_space<vmem>>) target_semaphore(%run_scoped3A : memref<!tpu.dma_semaphore, #tpu.memory_space<semaphore_mem>>)
      %dma_wait3A_372 = arith.constant 512 : i32
      %dma_wait3A_373 = tpu.memref_slice %arg5[%dma_wait3A_372] : memref<768xi32, #tpu.memory_space<vmem>> -> memref<256xi32, #tpu.memory_space<vmem>>
      %dma_wait3A_374 = tpu.memref_slice %arg3[%add3A_59] : memref<819200xi32, #tpu.memory_space<hbm>> -> memref<256xi32, #tpu.memory_space<hbm>>
      %dma_wait3A_375 = arith.constant 512 : i32
      %dma_wait3A_376 = tpu.memref_slice %arg5[%dma_wait3A_375] : memref<768xi32, #tpu.memory_space<vmem>> -> memref<256xi32, #tpu.memory_space<vmem>>
      %dma_wait3A_377 = tpu.memref_slice %arg3[%add3A_59] : memref<819200xi32, #tpu.memory_space<hbm>> -> memref<256xi32, #tpu.memory_space<hbm>>
      tpu.wait_dma2 semaphore(%run_scoped3A : memref<!tpu.dma_semaphore, #tpu.memory_space<semaphore_mem>>) src(%dma_wait3A_377 : memref<256xi32, #tpu.memory_space<hbm>>) dst(%dma_wait3A_376 : memref<256xi32, #tpu.memory_space<vmem>>)
      tpu.yield
    }) : () -> ()
    %dma_start3A_60 = arith.constant 2 : i32
    %dma_start3A_61 = arith.constant 2 : i32
    %dma_start3A_62 = arith.constant 0 : i32
    %dma_start3A_63 = arith.constant 0 : i32
    %dma_start3A_64 = tpu.memref_slice %arg6[%dma_start3A_60, %dma_start3A_62, %dma_start3A_63] : memref<3x256x128xf32, #tpu.memory_space<vmem>> -> memref<1x128x128xf32, #tpu.memory_space<vmem>>
    %dma_start3A_65 = tpu.memref_squeeze %dma_start3A_64 : memref<1x128x128xf32, #tpu.memory_space<vmem>> -> memref<128x128xf32, #tpu.memory_space<vmem>>
    %dma_start3A_66 = arith.constant 512 : i32
    %dma_start3A_67 = tpu.memref_slice %arg5[%dma_start3A_66] : memref<768xi32, #tpu.memory_space<vmem>> -> memref<128xi32, #tpu.memory_space<vmem>>
    %dma_start3A_68 = arith.constant 0 : i32
    %dma_start3A_69 = arith.constant 0 : i32
    %dma_start3A_70 = tpu.memref_slice %arg2[%dma_start3A_68, %dma_start3A_69] : memref<1000000x128xf32, #tpu.memory_space<hbm>> -> memref<1000000x128xf32, #tpu.memory_space<hbm>>
    %dma_start3A_71 = tpu.memref_slice %arg7[%dma_start3A_61] : memref<3x!tpu.dma_semaphore, #tpu.memory_space<semaphore_mem>> -> memref<1x!tpu.dma_semaphore, #tpu.memory_space<semaphore_mem>>
    %dma_start3A_72 = tpu.memref_squeeze %dma_start3A_71 : memref<1x!tpu.dma_semaphore, #tpu.memory_space<semaphore_mem>> -> memref<!tpu.dma_semaphore, #tpu.memory_space<semaphore_mem>>
    tpu.enqueue_indirect_dma source(%dma_start3A_70 : memref<1000000x128xf32, #tpu.memory_space<hbm>>) target(%dma_start3A_65 : memref<128x128xf32, #tpu.memory_space<vmem>>) offsets(%dma_start3A_67 : memref<128xi32, #tpu.memory_space<vmem>>) semaphore(%dma_start3A_72 : memref<!tpu.dma_semaphore, #tpu.memory_space<semaphore_mem>>)
    %dma_start3A_73 = arith.constant 2 : i32
    %dma_start3A_74 = arith.constant 2 : i32
    %dma_start3A_75 = arith.constant 128 : i32
    %dma_start3A_76 = arith.constant 0 : i32
    %dma_start3A_77 = tpu.memref_slice %arg6[%dma_start3A_73, %dma_start3A_75, %dma_start3A_76] : memref<3x256x128xf32, #tpu.memory_space<vmem>> -> memref<1x128x128xf32, #tpu.memory_space<vmem>>
    %dma_start3A_78 = tpu.memref_squeeze %dma_start3A_77 : memref<1x128x128xf32, #tpu.memory_space<vmem>> -> memref<128x128xf32, #tpu.memory_space<vmem>>
    %dma_start3A_79 = arith.constant 640 : i32
    %dma_start3A_80 = tpu.memref_slice %arg5[%dma_start3A_79] : memref<768xi32, #tpu.memory_space<vmem>> -> memref<128xi32, #tpu.memory_space<vmem>>
    %dma_start3A_81 = arith.constant 0 : i32
    %dma_start3A_82 = arith.constant 0 : i32
    %dma_start3A_83 = tpu.memref_slice %arg2[%dma_start3A_81, %dma_start3A_82] : memref<1000000x128xf32, #tpu.memory_space<hbm>> -> memref<1000000x128xf32, #tpu.memory_space<hbm>>
    %dma_start3A_84 = tpu.memref_slice %arg7[%dma_start3A_74] : memref<3x!tpu.dma_semaphore, #tpu.memory_space<semaphore_mem>> -> memref<1x!tpu.dma_semaphore, #tpu.memory_space<semaphore_mem>>
    %dma_start3A_85 = tpu.memref_squeeze %dma_start3A_84 : memref<1x!tpu.dma_semaphore, #tpu.memory_space<semaphore_mem>> -> memref<!tpu.dma_semaphore, #tpu.memory_space<semaphore_mem>>
    tpu.enqueue_indirect_dma source(%dma_start3A_83 : memref<1000000x128xf32, #tpu.memory_space<hbm>>) target(%dma_start3A_78 : memref<128x128xf32, #tpu.memory_space<vmem>>) offsets(%dma_start3A_80 : memref<128xi32, #tpu.memory_space<vmem>>) semaphore(%dma_start3A_85 : memref<!tpu.dma_semaphore, #tpu.memory_space<semaphore_mem>>)
    %scan3A = arith.constant 0 : i32
    %scan3A_86 = arith.constant 0 : i32
    %scan3A_87 = arith.constant 32 : i32
    %scan3A_88 = arith.addi %scan3A_86, %scan3A_87 : i32
    %scan3A_89 = arith.constant 1 : i32
    scf.for %scan3A_366 = %scan3A_86 to %scan3A_88 step %scan3A_89  : i32 {
      %mul3A_367 = arith.constant 3 : i32
      %mul3A_368 = arith.muli %mul3A_367, %scan3A_366 : i32
      %add3A_369 = arith.constant 0 : i32
      %add3A_370 = arith.addi %mul3A_368, %add3A_369 : i32
      %dma_wait3A_371 = arith.constant 0 : i32
      %dma_wait3A_372 = arith.constant 0 : i32
      %dma_wait3A_373 = arith.constant 0 : i32
      %dma_wait3A_374 = arith.constant 0 : i32
      %dma_wait3A_375 = tpu.memref_slice %arg6[%dma_wait3A_371, %dma_wait3A_373, %dma_wait3A_374] : memref<3x256x128xf32, #tpu.memory_space<vmem>> -> memref<1x128x128xf32, #tpu.memory_space<vmem>>
      %dma_wait3A_376 = tpu.memref_squeeze %dma_wait3A_375 : memref<1x128x128xf32, #tpu.memory_space<vmem>> -> memref<128x128xf32, #tpu.memory_space<vmem>>
      %dma_wait3A_377 = arith.constant 0 : i32
      %dma_wait3A_378 = tpu.memref_slice %arg5[%dma_wait3A_377] : memref<768xi32, #tpu.memory_space<vmem>> -> memref<128xi32, #tpu.memory_space<vmem>>
      %dma_wait3A_379 = arith.constant 0 : i32
      %dma_wait3A_380 = arith.constant 0 : i32
      %dma_wait3A_381 = tpu.memref_slice %arg2[%dma_wait3A_379, %dma_wait3A_380] : memref<1000000x128xf32, #tpu.memory_space<hbm>> -> memref<1000000x128xf32, #tpu.memory_space<hbm>>
      %dma_wait3A_382 = tpu.memref_slice %arg7[%dma_wait3A_372] : memref<3x!tpu.dma_semaphore, #tpu.memory_space<semaphore_mem>> -> memref<1x!tpu.dma_semaphore, #tpu.memory_space<semaphore_mem>>
      %dma_wait3A_383 = tpu.memref_squeeze %dma_wait3A_382 : memref<1x!tpu.dma_semaphore, #tpu.memory_space<semaphore_mem>> -> memref<!tpu.dma_semaphore, #tpu.memory_space<semaphore_mem>>
      tpu.wait_indirect_dma semaphore(%dma_wait3A_383 : memref<!tpu.dma_semaphore, #tpu.memory_space<semaphore_mem>>) src(%dma_wait3A_381 : memref<1000000x128xf32, #tpu.memory_space<hbm>>) dst(%dma_wait3A_376 : memref<128x128xf32, #tpu.memory_space<vmem>>)
      %dma_wait3A_384 = arith.constant 0 : i32
      %dma_wait3A_385 = arith.constant 0 : i32
      %dma_wait3A_386 = arith.constant 0 : i32
      %dma_wait3A_387 = arith.constant 0 : i32
      %dma_wait3A_388 = tpu.memref_slice %arg6[%dma_wait3A_384, %dma_wait3A_386, %dma_wait3A_387] : memref<3x256x128xf32, #tpu.memory_space<vmem>> -> memref<1x128x128xf32, #tpu.memory_space<vmem>>
      %dma_wait3A_389 = tpu.memref_squeeze %dma_wait3A_388 : memref<1x128x128xf32, #tpu.memory_space<vmem>> -> memref<128x128xf32, #tpu.memory_space<vmem>>
      %dma_wait3A_390 = arith.constant 0 : i32
      %dma_wait3A_391 = tpu.memref_slice %arg5[%dma_wait3A_390] : memref<768xi32, #tpu.memory_space<vmem>> -> memref<128xi32, #tpu.memory_space<vmem>>
      %dma_wait3A_392 = arith.constant 0 : i32
      %dma_wait3A_393 = arith.constant 0 : i32
      %dma_wait3A_394 = tpu.memref_slice %arg2[%dma_wait3A_392, %dma_wait3A_393] : memref<1000000x128xf32, #tpu.memory_space<hbm>> -> memref<1000000x128xf32, #tpu.memory_space<hbm>>
      %dma_wait3A_395 = tpu.memref_slice %arg7[%dma_wait3A_385] : memref<3x!tpu.dma_semaphore, #tpu.memory_space<semaphore_mem>> -> memref<1x!tpu.dma_semaphore, #tpu.memory_space<semaphore_mem>>
      %dma_wait3A_396 = tpu.memref_squeeze %dma_wait3A_395 : memref<1x!tpu.dma_semaphore, #tpu.memory_space<semaphore_mem>> -> memref<!tpu.dma_semaphore, #tpu.memory_space<semaphore_mem>>
      tpu.wait_indirect_dma semaphore(%dma_wait3A_396 : memref<!tpu.dma_semaphore, #tpu.memory_space<semaphore_mem>>) src(%dma_wait3A_394 : memref<1000000x128xf32, #tpu.memory_space<hbm>>) dst(%dma_wait3A_389 : memref<128x128xf32, #tpu.memory_space<vmem>>)
      %mul3A_397 = arith.constant 256 : i32
      %mul3A_398 = arith.muli %add3A_370, %mul3A_397 : i32
      %add3A_399 = arith.addi %mul3A_2, %mul3A_398 : i32
      %dma_start3A_400 = arith.constant 0 : i32
      %dma_start3A_401 = arith.constant 0 : i32
      %dma_start3A_402 = arith.constant 0 : i32
      %dma_start3A_403 = arith.constant 0 : i32
      %dma_start3A_404 = tpu.memref_slice %arg6[%dma_start3A_400, %dma_start3A_402, %dma_start3A_403] : memref<3x256x128xf32, #tpu.memory_space<vmem>> -> memref<1x256x128xf32, #tpu.memory_space<vmem>>
      %dma_start3A_405 = tpu.memref_squeeze %dma_start3A_404 : memref<1x256x128xf32, #tpu.memory_space<vmem>> -> memref<256x128xf32, #tpu.memory_space<vmem>>
      %dma_start3A_406 = arith.constant 0 : i32
      %dma_start3A_407 = tpu.memref_slice %arg4[%add3A_399, %dma_start3A_406] : memref<819200x128xf32, #tpu.memory_space<hbm>> -> memref<256x128xf32, #tpu.memory_space<hbm>>
      %dma_start3A_408 = tpu.memref_slice %arg8[%dma_start3A_401] : memref<3x!tpu.dma_semaphore, #tpu.memory_space<semaphore_mem>> -> memref<1x!tpu.dma_semaphore, #tpu.memory_space<semaphore_mem>>
      %dma_start3A_409 = tpu.memref_squeeze %dma_start3A_408 : memref<1x!tpu.dma_semaphore, #tpu.memory_space<semaphore_mem>> -> memref<!tpu.dma_semaphore, #tpu.memory_space<semaphore_mem>>
      %dma_start3A_410 = arith.constant 0 : i32
      %dma_start3A_411 = tpu.memref_slice %arg4[%add3A_399, %dma_start3A_410] : memref<819200x128xf32, #tpu.memory_space<hbm>> -> memref<256x128xf32, #tpu.memory_space<hbm>>
      %dma_start3A_412 = arith.constant 0 : i32
      %dma_start3A_413 = arith.constant 0 : i32
      %dma_start3A_414 = tpu.memref_slice %arg6[%dma_start3A_400, %dma_start3A_412, %dma_start3A_413] : memref<3x256x128xf32, #tpu.memory_space<vmem>> -> memref<1x256x128xf32, #tpu.memory_space<vmem>>
      %dma_start3A_415 = tpu.memref_squeeze %dma_start3A_414 : memref<1x256x128xf32, #tpu.memory_space<vmem>> -> memref<256x128xf32, #tpu.memory_space<vmem>>
      tpu.enqueue_dma source(%dma_start3A_415 : memref<256x128xf32, #tpu.memory_space<vmem>>) target(%dma_start3A_411 : memref<256x128xf32, #tpu.memory_space<hbm>>) target_semaphore(%dma_start3A_409 : memref<!tpu.dma_semaphore, #tpu.memory_space<semaphore_mem>>)
      %add3A_416 = arith.constant 3 : i32
      %add3A_417 = arith.addi %add3A_370, %add3A_416 : i32
      %mul3A_418 = arith.constant 256 : i32
      %mul3A_419 = arith.muli %add3A_417, %mul3A_418 : i32
      %add3A_420 = arith.addi %mul3A_2, %mul3A_419 : i32
      "tpu.region"() ({
        %run_scoped3A = tpu.sem_alloc : memref<!tpu.dma_semaphore, #tpu.memory_space<semaphore_mem>>
        %dma_start3A_664 = arith.constant 0 : i32
        %dma_start3A_665 = tpu.memref_slice %arg5[%dma_start3A_664] : memref<768xi32, #tpu.memory_space<vmem>> -> memref<256xi32, #tpu.memory_space<vmem>>
        %dma_start3A_666 = tpu.memref_slice %arg3[%add3A_420] : memref<819200xi32, #tpu.memory_space<hbm>> -> memref<256xi32, #tpu.memory_space<hbm>>
        %dma_start3A_667 = arith.constant 0 : i32
        %dma_start3A_668 = tpu.memref_slice %arg5[%dma_start3A_667] : memref<768xi32, #tpu.memory_space<vmem>> -> memref<256xi32, #tpu.memory_space<vmem>>
        %dma_start3A_669 = tpu.memref_slice %arg3[%add3A_420] : memref<819200xi32, #tpu.memory_space<hbm>> -> memref<256xi32, #tpu.memory_space<hbm>>
        tpu.enqueue_dma source(%dma_start3A_669 : memref<256xi32, #tpu.memory_space<hbm>>) target(%dma_start3A_668 : memref<256xi32, #tpu.memory_space<vmem>>) target_semaphore(%run_scoped3A : memref<!tpu.dma_semaphore, #tpu.memory_space<semaphore_mem>>)
        %dma_wait3A_670 = arith.constant 0 : i32
        %dma_wait3A_671 = tpu.memref_slice %arg5[%dma_wait3A_670] : memref<768xi32, #tpu.memory_space<vmem>> -> memref<256xi32, #tpu.memory_space<vmem>>
        %dma_wait3A_672 = tpu.memref_slice %arg3[%add3A_420] : memref<819200xi32, #tpu.memory_space<hbm>> -> memref<256xi32, #tpu.memory_space<hbm>>
        %dma_wait3A_673 = arith.constant 0 : i32
        %dma_wait3A_674 = tpu.memref_slice %arg5[%dma_wait3A_673] : memref<768xi32, #tpu.memory_space<vmem>> -> memref<256xi32, #tpu.memory_space<vmem>>
        %dma_wait3A_675 = tpu.memref_slice %arg3[%add3A_420] : memref<819200xi32, #tpu.memory_space<hbm>> -> memref<256xi32, #tpu.memory_space<hbm>>
        tpu.wait_dma2 semaphore(%run_scoped3A : memref<!tpu.dma_semaphore, #tpu.memory_space<semaphore_mem>>) src(%dma_wait3A_675 : memref<256xi32, #tpu.memory_space<hbm>>) dst(%dma_wait3A_674 : memref<256xi32, #tpu.memory_space<vmem>>)
        tpu.yield
      }) : () -> ()
      %mul3A_421 = arith.constant 256 : i32
      %mul3A_422 = arith.muli %add3A_370, %mul3A_421 : i32
      %add3A_423 = arith.addi %mul3A_2, %mul3A_422 : i32
      %dma_wait3A_424 = arith.constant 0 : i32
      %dma_wait3A_425 = arith.constant 0 : i32
      %dma_wait3A_426 = arith.constant 0 : i32
      %dma_wait3A_427 = arith.constant 0 : i32
      %dma_wait3A_428 = tpu.memref_slice %arg6[%dma_wait3A_424, %dma_wait3A_426, %dma_wait3A_427] : memref<3x256x128xf32, #tpu.memory_space<vmem>> -> memref<1x256x128xf32, #tpu.memory_space<vmem>>
      %dma_wait3A_429 = tpu.memref_squeeze %dma_wait3A_428 : memref<1x256x128xf32, #tpu.memory_space<vmem>> -> memref<256x128xf32, #tpu.memory_space<vmem>>
      %dma_wait3A_430 = arith.constant 0 : i32
      %dma_wait3A_431 = tpu.memref_slice %arg4[%add3A_423, %dma_wait3A_430] : memref<819200x128xf32, #tpu.memory_space<hbm>> -> memref<256x128xf32, #tpu.memory_space<hbm>>
      %dma_wait3A_432 = tpu.memref_slice %arg8[%dma_wait3A_425] : memref<3x!tpu.dma_semaphore, #tpu.memory_space<semaphore_mem>> -> memref<1x!tpu.dma_semaphore, #tpu.memory_space<semaphore_mem>>
      %dma_wait3A_433 = tpu.memref_squeeze %dma_wait3A_432 : memref<1x!tpu.dma_semaphore, #tpu.memory_space<semaphore_mem>> -> memref<!tpu.dma_semaphore, #tpu.memory_space<semaphore_mem>>
      %dma_wait3A_434 = arith.constant 0 : i32
      %dma_wait3A_435 = tpu.memref_slice %arg4[%add3A_423, %dma_wait3A_434] : memref<819200x128xf32, #tpu.memory_space<hbm>> -> memref<256x128xf32, #tpu.memory_space<hbm>>
      %dma_wait3A_436 = arith.constant 0 : i32
      %dma_wait3A_437 = arith.constant 0 : i32
      %dma_wait3A_438 = tpu.memref_slice %arg6[%dma_wait3A_424, %dma_wait3A_436, %dma_wait3A_437] : memref<3x256x128xf32, #tpu.memory_space<vmem>> -> memref<1x256x128xf32, #tpu.memory_space<vmem>>
      %dma_wait3A_439 = tpu.memref_squeeze %dma_wait3A_438 : memref<1x256x128xf32, #tpu.memory_space<vmem>> -> memref<256x128xf32, #tpu.memory_space<vmem>>
      tpu.wait_dma2 semaphore(%dma_wait3A_433 : memref<!tpu.dma_semaphore, #tpu.memory_space<semaphore_mem>>) src(%dma_wait3A_439 : memref<256x128xf32, #tpu.memory_space<vmem>>) dst(%dma_wait3A_435 : memref<256x128xf32, #tpu.memory_space<hbm>>)
      %dma_start3A_440 = arith.constant 0 : i32
      %dma_start3A_441 = arith.constant 0 : i32
      %dma_start3A_442 = arith.constant 0 : i32
      %dma_start3A_443 = arith.constant 0 : i32
      %dma_start3A_444 = tpu.memref_slice %arg6[%dma_start3A_440, %dma_start3A_442, %dma_start3A_443] : memref<3x256x128xf32, #tpu.memory_space<vmem>> -> memref<1x128x128xf32, #tpu.memory_space<vmem>>
      %dma_start3A_445 = tpu.memref_squeeze %dma_start3A_444 : memref<1x128x128xf32, #tpu.memory_space<vmem>> -> memref<128x128xf32, #tpu.memory_space<vmem>>
      %dma_start3A_446 = arith.constant 0 : i32
      %dma_start3A_447 = tpu.memref_slice %arg5[%dma_start3A_446] : memref<768xi32, #tpu.memory_space<vmem>> -> memref<128xi32, #tpu.memory_space<vmem>>
      %dma_start3A_448 = arith.constant 0 : i32
      %dma_start3A_449 = arith.constant 0 : i32
      %dma_start3A_450 = tpu.memref_slice %arg2[%dma_start3A_448, %dma_start3A_449] : memref<1000000x128xf32, #tpu.memory_space<hbm>> -> memref<1000000x128xf32, #tpu.memory_space<hbm>>
      %dma_start3A_451 = tpu.memref_slice %arg7[%dma_start3A_441] : memref<3x!tpu.dma_semaphore, #tpu.memory_space<semaphore_mem>> -> memref<1x!tpu.dma_semaphore, #tpu.memory_space<semaphore_mem>>
      %dma_start3A_452 = tpu.memref_squeeze %dma_start3A_451 : memref<1x!tpu.dma_semaphore, #tpu.memory_space<semaphore_mem>> -> memref<!tpu.dma_semaphore, #tpu.memory_space<semaphore_mem>>
      tpu.enqueue_indirect_dma source(%dma_start3A_450 : memref<1000000x128xf32, #tpu.memory_space<hbm>>) target(%dma_start3A_445 : memref<128x128xf32, #tpu.memory_space<vmem>>) offsets(%dma_start3A_447 : memref<128xi32, #tpu.memory_space<vmem>>) semaphore(%dma_start3A_452 : memref<!tpu.dma_semaphore, #tpu.memory_space<semaphore_mem>>)
      %dma_start3A_453 = arith.constant 0 : i32
      %dma_start3A_454 = arith.constant 0 : i32
      %dma_start3A_455 = arith.constant 128 : i32
      %dma_start3A_456 = arith.constant 0 : i32
      %dma_start3A_457 = tpu.memref_slice %arg6[%dma_start3A_453, %dma_start3A_455, %dma_start3A_456] : memref<3x256x128xf32, #tpu.memory_space<vmem>> -> memref<1x128x128xf32, #tpu.memory_space<vmem>>
      %dma_start3A_458 = tpu.memref_squeeze %dma_start3A_457 : memref<1x128x128xf32, #tpu.memory_space<vmem>> -> memref<128x128xf32, #tpu.memory_space<vmem>>
      %dma_start3A_459 = arith.constant 128 : i32
      %dma_start3A_460 = tpu.memref_slice %arg5[%dma_start3A_459] : memref<768xi32, #tpu.memory_space<vmem>> -> memref<128xi32, #tpu.memory_space<vmem>>
      %dma_start3A_461 = arith.constant 0 : i32
      %dma_start3A_462 = arith.constant 0 : i32
      %dma_start3A_463 = tpu.memref_slice %arg2[%dma_start3A_461, %dma_start3A_462] : memref<1000000x128xf32, #tpu.memory_space<hbm>> -> memref<1000000x128xf32, #tpu.memory_space<hbm>>
      %dma_start3A_464 = tpu.memref_slice %arg7[%dma_start3A_454] : memref<3x!tpu.dma_semaphore, #tpu.memory_space<semaphore_mem>> -> memref<1x!tpu.dma_semaphore, #tpu.memory_space<semaphore_mem>>
      %dma_start3A_465 = tpu.memref_squeeze %dma_start3A_464 : memref<1x!tpu.dma_semaphore, #tpu.memory_space<semaphore_mem>> -> memref<!tpu.dma_semaphore, #tpu.memory_space<semaphore_mem>>
      tpu.enqueue_indirect_dma source(%dma_start3A_463 : memref<1000000x128xf32, #tpu.memory_space<hbm>>) target(%dma_start3A_458 : memref<128x128xf32, #tpu.memory_space<vmem>>) offsets(%dma_start3A_460 : memref<128xi32, #tpu.memory_space<vmem>>) semaphore(%dma_start3A_465 : memref<!tpu.dma_semaphore, #tpu.memory_space<semaphore_mem>>)
      %mul3A_466 = arith.constant 3 : i32
      %mul3A_467 = arith.muli %mul3A_466, %scan3A_366 : i32
      %add3A_468 = arith.constant 1 : i32
      %add3A_469 = arith.addi %mul3A_467, %add3A_468 : i32
      %dma_wait3A_470 = arith.constant 1 : i32
      %dma_wait3A_471 = arith.constant 1 : i32
      %dma_wait3A_472 = arith.constant 0 : i32
      %dma_wait3A_473 = arith.constant 0 : i32
      %dma_wait3A_474 = tpu.memref_slice %arg6[%dma_wait3A_470, %dma_wait3A_472, %dma_wait3A_473] : memref<3x256x128xf32, #tpu.memory_space<vmem>> -> memref<1x128x128xf32, #tpu.memory_space<vmem>>
      %dma_wait3A_475 = tpu.memref_squeeze %dma_wait3A_474 : memref<1x128x128xf32, #tpu.memory_space<vmem>> -> memref<128x128xf32, #tpu.memory_space<vmem>>
      %dma_wait3A_476 = arith.constant 256 : i32
      %dma_wait3A_477 = tpu.memref_slice %arg5[%dma_wait3A_476] : memref<768xi32, #tpu.memory_space<vmem>> -> memref<128xi32, #tpu.memory_space<vmem>>
      %dma_wait3A_478 = arith.constant 0 : i32
      %dma_wait3A_479 = arith.constant 0 : i32
      %dma_wait3A_480 = tpu.memref_slice %arg2[%dma_wait3A_478, %dma_wait3A_479] : memref<1000000x128xf32, #tpu.memory_space<hbm>> -> memref<1000000x128xf32, #tpu.memory_space<hbm>>
      %dma_wait3A_481 = tpu.memref_slice %arg7[%dma_wait3A_471] : memref<3x!tpu.dma_semaphore, #tpu.memory_space<semaphore_mem>> -> memref<1x!tpu.dma_semaphore, #tpu.memory_space<semaphore_mem>>
      %dma_wait3A_482 = tpu.memref_squeeze %dma_wait3A_481 : memref<1x!tpu.dma_semaphore, #tpu.memory_space<semaphore_mem>> -> memref<!tpu.dma_semaphore, #tpu.memory_space<semaphore_mem>>
      tpu.wait_indirect_dma semaphore(%dma_wait3A_482 : memref<!tpu.dma_semaphore, #tpu.memory_space<semaphore_mem>>) src(%dma_wait3A_480 : memref<1000000x128xf32, #tpu.memory_space<hbm>>) dst(%dma_wait3A_475 : memref<128x128xf32, #tpu.memory_space<vmem>>)
      %dma_wait3A_483 = arith.constant 1 : i32
      %dma_wait3A_484 = arith.constant 1 : i32
      %dma_wait3A_485 = arith.constant 0 : i32
      %dma_wait3A_486 = arith.constant 0 : i32
      %dma_wait3A_487 = tpu.memref_slice %arg6[%dma_wait3A_483, %dma_wait3A_485, %dma_wait3A_486] : memref<3x256x128xf32, #tpu.memory_space<vmem>> -> memref<1x128x128xf32, #tpu.memory_space<vmem>>
      %dma_wait3A_488 = tpu.memref_squeeze %dma_wait3A_487 : memref<1x128x128xf32, #tpu.memory_space<vmem>> -> memref<128x128xf32, #tpu.memory_space<vmem>>
      %dma_wait3A_489 = arith.constant 256 : i32
      %dma_wait3A_490 = tpu.memref_slice %arg5[%dma_wait3A_489] : memref<768xi32, #tpu.memory_space<vmem>> -> memref<128xi32, #tpu.memory_space<vmem>>
      %dma_wait3A_491 = arith.constant 0 : i32
      %dma_wait3A_492 = arith.constant 0 : i32
      %dma_wait3A_493 = tpu.memref_slice %arg2[%dma_wait3A_491, %dma_wait3A_492] : memref<1000000x128xf32, #tpu.memory_space<hbm>> -> memref<1000000x128xf32, #tpu.memory_space<hbm>>
      %dma_wait3A_494 = tpu.memref_slice %arg7[%dma_wait3A_484] : memref<3x!tpu.dma_semaphore, #tpu.memory_space<semaphore_mem>> -> memref<1x!tpu.dma_semaphore, #tpu.memory_space<semaphore_mem>>
      %dma_wait3A_495 = tpu.memref_squeeze %dma_wait3A_494 : memref<1x!tpu.dma_semaphore, #tpu.memory_space<semaphore_mem>> -> memref<!tpu.dma_semaphore, #tpu.memory_space<semaphore_mem>>
      tpu.wait_indirect_dma semaphore(%dma_wait3A_495 : memref<!tpu.dma_semaphore, #tpu.memory_space<semaphore_mem>>) src(%dma_wait3A_493 : memref<1000000x128xf32, #tpu.memory_space<hbm>>) dst(%dma_wait3A_488 : memref<128x128xf32, #tpu.memory_space<vmem>>)
      %mul3A_496 = arith.constant 256 : i32
      %mul3A_497 = arith.muli %add3A_469, %mul3A_496 : i32
      %add3A_498 = arith.addi %mul3A_2, %mul3A_497 : i32
      %dma_start3A_499 = arith.constant 1 : i32
      %dma_start3A_500 = arith.constant 1 : i32
      %dma_start3A_501 = arith.constant 0 : i32
      %dma_start3A_502 = arith.constant 0 : i32
      %dma_start3A_503 = tpu.memref_slice %arg6[%dma_start3A_499, %dma_start3A_501, %dma_start3A_502] : memref<3x256x128xf32, #tpu.memory_space<vmem>> -> memref<1x256x128xf32, #tpu.memory_space<vmem>>
      %dma_start3A_504 = tpu.memref_squeeze %dma_start3A_503 : memref<1x256x128xf32, #tpu.memory_space<vmem>> -> memref<256x128xf32, #tpu.memory_space<vmem>>
      %dma_start3A_505 = arith.constant 0 : i32
      %dma_start3A_506 = tpu.memref_slice %arg4[%add3A_498, %dma_start3A_505] : memref<819200x128xf32, #tpu.memory_space<hbm>> -> memref<256x128xf32, #tpu.memory_space<hbm>>
      %dma_start3A_507 = tpu.memref_slice %arg8[%dma_start3A_500] : memref<3x!tpu.dma_semaphore, #tpu.memory_space<semaphore_mem>> -> memref<1x!tpu.dma_semaphore, #tpu.memory_space<semaphore_mem>>
      %dma_start3A_508 = tpu.memref_squeeze %dma_start3A_507 : memref<1x!tpu.dma_semaphore, #tpu.memory_space<semaphore_mem>> -> memref<!tpu.dma_semaphore, #tpu.memory_space<semaphore_mem>>
      %dma_start3A_509 = arith.constant 0 : i32
      %dma_start3A_510 = tpu.memref_slice %arg4[%add3A_498, %dma_start3A_509] : memref<819200x128xf32, #tpu.memory_space<hbm>> -> memref<256x128xf32, #tpu.memory_space<hbm>>
      %dma_start3A_511 = arith.constant 0 : i32
      %dma_start3A_512 = arith.constant 0 : i32
      %dma_start3A_513 = tpu.memref_slice %arg6[%dma_start3A_499, %dma_start3A_511, %dma_start3A_512] : memref<3x256x128xf32, #tpu.memory_space<vmem>> -> memref<1x256x128xf32, #tpu.memory_space<vmem>>
      %dma_start3A_514 = tpu.memref_squeeze %dma_start3A_513 : memref<1x256x128xf32, #tpu.memory_space<vmem>> -> memref<256x128xf32, #tpu.memory_space<vmem>>
      tpu.enqueue_dma source(%dma_start3A_514 : memref<256x128xf32, #tpu.memory_space<vmem>>) target(%dma_start3A_510 : memref<256x128xf32, #tpu.memory_space<hbm>>) target_semaphore(%dma_start3A_508 : memref<!tpu.dma_semaphore, #tpu.memory_space<semaphore_mem>>)
      %add3A_515 = arith.constant 3 : i32
      %add3A_516 = arith.addi %add3A_469, %add3A_515 : i32
      %mul3A_517 = arith.constant 256 : i32
      %mul3A_518 = arith.muli %add3A_516, %mul3A_517 : i32
      %add3A_519 = arith.addi %mul3A_2, %mul3A_518 : i32
      "tpu.region"() ({
        %run_scoped3A = tpu.sem_alloc : memref<!tpu.dma_semaphore, #tpu.memory_space<semaphore_mem>>
        %dma_start3A_664 = arith.constant 256 : i32
        %dma_start3A_665 = tpu.memref_slice %arg5[%dma_start3A_664] : memref<768xi32, #tpu.memory_space<vmem>> -> memref<256xi32, #tpu.memory_space<vmem>>
        %dma_start3A_666 = tpu.memref_slice %arg3[%add3A_519] : memref<819200xi32, #tpu.memory_space<hbm>> -> memref<256xi32, #tpu.memory_space<hbm>>
        %dma_start3A_667 = arith.constant 256 : i32
        %dma_start3A_668 = tpu.memref_slice %arg5[%dma_start3A_667] : memref<768xi32, #tpu.memory_space<vmem>> -> memref<256xi32, #tpu.memory_space<vmem>>
        %dma_start3A_669 = tpu.memref_slice %arg3[%add3A_519] : memref<819200xi32, #tpu.memory_space<hbm>> -> memref<256xi32, #tpu.memory_space<hbm>>
        tpu.enqueue_dma source(%dma_start3A_669 : memref<256xi32, #tpu.memory_space<hbm>>) target(%dma_start3A_668 : memref<256xi32, #tpu.memory_space<vmem>>) target_semaphore(%run_scoped3A : memref<!tpu.dma_semaphore, #tpu.memory_space<semaphore_mem>>)
        %dma_wait3A_670 = arith.constant 256 : i32
        %dma_wait3A_671 = tpu.memref_slice %arg5[%dma_wait3A_670] : memref<768xi32, #tpu.memory_space<vmem>> -> memref<256xi32, #tpu.memory_space<vmem>>
        %dma_wait3A_672 = tpu.memref_slice %arg3[%add3A_519] : memref<819200xi32, #tpu.memory_space<hbm>> -> memref<256xi32, #tpu.memory_space<hbm>>
        %dma_wait3A_673 = arith.constant 256 : i32
        %dma_wait3A_674 = tpu.memref_slice %arg5[%dma_wait3A_673] : memref<768xi32, #tpu.memory_space<vmem>> -> memref<256xi32, #tpu.memory_space<vmem>>
        %dma_wait3A_675 = tpu.memref_slice %arg3[%add3A_519] : memref<819200xi32, #tpu.memory_space<hbm>> -> memref<256xi32, #tpu.memory_space<hbm>>
        tpu.wait_dma2 semaphore(%run_scoped3A : memref<!tpu.dma_semaphore, #tpu.memory_space<semaphore_mem>>) src(%dma_wait3A_675 : memref<256xi32, #tpu.memory_space<hbm>>) dst(%dma_wait3A_674 : memref<256xi32, #tpu.memory_space<vmem>>)
        tpu.yield
      }) : () -> ()
      %mul3A_520 = arith.constant 256 : i32
      %mul3A_521 = arith.muli %add3A_469, %mul3A_520 : i32
      %add3A_522 = arith.addi %mul3A_2, %mul3A_521 : i32
      %dma_wait3A_523 = arith.constant 1 : i32
      %dma_wait3A_524 = arith.constant 1 : i32
      %dma_wait3A_525 = arith.constant 0 : i32
      %dma_wait3A_526 = arith.constant 0 : i32
      %dma_wait3A_527 = tpu.memref_slice %arg6[%dma_wait3A_523, %dma_wait3A_525, %dma_wait3A_526] : memref<3x256x128xf32, #tpu.memory_space<vmem>> -> memref<1x256x128xf32, #tpu.memory_space<vmem>>
      %dma_wait3A_528 = tpu.memref_squeeze %dma_wait3A_527 : memref<1x256x128xf32, #tpu.memory_space<vmem>> -> memref<256x128xf32, #tpu.memory_space<vmem>>
      %dma_wait3A_529 = arith.constant 0 : i32
      %dma_wait3A_530 = tpu.memref_slice %arg4[%add3A_522, %dma_wait3A_529] : memref<819200x128xf32, #tpu.memory_space<hbm>> -> memref<256x128xf32, #tpu.memory_space<hbm>>
      %dma_wait3A_531 = tpu.memref_slice %arg8[%dma_wait3A_524] : memref<3x!tpu.dma_semaphore, #tpu.memory_space<semaphore_mem>> -> memref<1x!tpu.dma_semaphore, #tpu.memory_space<semaphore_mem>>
      %dma_wait3A_532 = tpu.memref_squeeze %dma_wait3A_531 : memref<1x!tpu.dma_semaphore, #tpu.memory_space<semaphore_mem>> -> memref<!tpu.dma_semaphore, #tpu.memory_space<semaphore_mem>>
      %dma_wait3A_533 = arith.constant 0 : i32
      %dma_wait3A_534 = tpu.memref_slice %arg4[%add3A_522, %dma_wait3A_533] : memref<819200x128xf32, #tpu.memory_space<hbm>> -> memref<256x128xf32, #tpu.memory_space<hbm>>
      %dma_wait3A_535 = arith.constant 0 : i32
      %dma_wait3A_536 = arith.constant 0 : i32
      %dma_wait3A_537 = tpu.memref_slice %arg6[%dma_wait3A_523, %dma_wait3A_535, %dma_wait3A_536] : memref<3x256x128xf32, #tpu.memory_space<vmem>> -> memref<1x256x128xf32, #tpu.memory_space<vmem>>
      %dma_wait3A_538 = tpu.memref_squeeze %dma_wait3A_537 : memref<1x256x128xf32, #tpu.memory_space<vmem>> -> memref<256x128xf32, #tpu.memory_space<vmem>>
      tpu.wait_dma2 semaphore(%dma_wait3A_532 : memref<!tpu.dma_semaphore, #tpu.memory_space<semaphore_mem>>) src(%dma_wait3A_538 : memref<256x128xf32, #tpu.memory_space<vmem>>) dst(%dma_wait3A_534 : memref<256x128xf32, #tpu.memory_space<hbm>>)
      %dma_start3A_539 = arith.constant 1 : i32
      %dma_start3A_540 = arith.constant 1 : i32
      %dma_start3A_541 = arith.constant 0 : i32
      %dma_start3A_542 = arith.constant 0 : i32
      %dma_start3A_543 = tpu.memref_slice %arg6[%dma_start3A_539, %dma_start3A_541, %dma_start3A_542] : memref<3x256x128xf32, #tpu.memory_space<vmem>> -> memref<1x128x128xf32, #tpu.memory_space<vmem>>
      %dma_start3A_544 = tpu.memref_squeeze %dma_start3A_543 : memref<1x128x128xf32, #tpu.memory_space<vmem>> -> memref<128x128xf32, #tpu.memory_space<vmem>>
      %dma_start3A_545 = arith.constant 256 : i32
      %dma_start3A_546 = tpu.memref_slice %arg5[%dma_start3A_545] : memref<768xi32, #tpu.memory_space<vmem>> -> memref<128xi32, #tpu.memory_space<vmem>>
      %dma_start3A_547 = arith.constant 0 : i32
      %dma_start3A_548 = arith.constant 0 : i32
      %dma_start3A_549 = tpu.memref_slice %arg2[%dma_start3A_547, %dma_start3A_548] : memref<1000000x128xf32, #tpu.memory_space<hbm>> -> memref<1000000x128xf32, #tpu.memory_space<hbm>>
      %dma_start3A_550 = tpu.memref_slice %arg7[%dma_start3A_540] : memref<3x!tpu.dma_semaphore, #tpu.memory_space<semaphore_mem>> -> memref<1x!tpu.dma_semaphore, #tpu.memory_space<semaphore_mem>>
      %dma_start3A_551 = tpu.memref_squeeze %dma_start3A_550 : memref<1x!tpu.dma_semaphore, #tpu.memory_space<semaphore_mem>> -> memref<!tpu.dma_semaphore, #tpu.memory_space<semaphore_mem>>
      tpu.enqueue_indirect_dma source(%dma_start3A_549 : memref<1000000x128xf32, #tpu.memory_space<hbm>>) target(%dma_start3A_544 : memref<128x128xf32, #tpu.memory_space<vmem>>) offsets(%dma_start3A_546 : memref<128xi32, #tpu.memory_space<vmem>>) semaphore(%dma_start3A_551 : memref<!tpu.dma_semaphore, #tpu.memory_space<semaphore_mem>>)
      %dma_start3A_552 = arith.constant 1 : i32
      %dma_start3A_553 = arith.constant 1 : i32
      %dma_start3A_554 = arith.constant 128 : i32
      %dma_start3A_555 = arith.constant 0 : i32
      %dma_start3A_556 = tpu.memref_slice %arg6[%dma_start3A_552, %dma_start3A_554, %dma_start3A_555] : memref<3x256x128xf32, #tpu.memory_space<vmem>> -> memref<1x128x128xf32, #tpu.memory_space<vmem>>
      %dma_start3A_557 = tpu.memref_squeeze %dma_start3A_556 : memref<1x128x128xf32, #tpu.memory_space<vmem>> -> memref<128x128xf32, #tpu.memory_space<vmem>>
      %dma_start3A_558 = arith.constant 384 : i32
      %dma_start3A_559 = tpu.memref_slice %arg5[%dma_start3A_558] : memref<768xi32, #tpu.memory_space<vmem>> -> memref<128xi32, #tpu.memory_space<vmem>>
      %dma_start3A_560 = arith.constant 0 : i32
      %dma_start3A_561 = arith.constant 0 : i32
      %dma_start3A_562 = tpu.memref_slice %arg2[%dma_start3A_560, %dma_start3A_561] : memref<1000000x128xf32, #tpu.memory_space<hbm>> -> memref<1000000x128xf32, #tpu.memory_space<hbm>>
      %dma_start3A_563 = tpu.memref_slice %arg7[%dma_start3A_553] : memref<3x!tpu.dma_semaphore, #tpu.memory_space<semaphore_mem>> -> memref<1x!tpu.dma_semaphore, #tpu.memory_space<semaphore_mem>>
      %dma_start3A_564 = tpu.memref_squeeze %dma_start3A_563 : memref<1x!tpu.dma_semaphore, #tpu.memory_space<semaphore_mem>> -> memref<!tpu.dma_semaphore, #tpu.memory_space<semaphore_mem>>
      tpu.enqueue_indirect_dma source(%dma_start3A_562 : memref<1000000x128xf32, #tpu.memory_space<hbm>>) target(%dma_start3A_557 : memref<128x128xf32, #tpu.memory_space<vmem>>) offsets(%dma_start3A_559 : memref<128xi32, #tpu.memory_space<vmem>>) semaphore(%dma_start3A_564 : memref<!tpu.dma_semaphore, #tpu.memory_space<semaphore_mem>>)
      %mul3A_565 = arith.constant 3 : i32
      %mul3A_566 = arith.muli %mul3A_565, %scan3A_366 : i32
      %add3A_567 = arith.constant 2 : i32
      %add3A_568 = arith.addi %mul3A_566, %add3A_567 : i32
      %dma_wait3A_569 = arith.constant 2 : i32
      %dma_wait3A_570 = arith.constant 2 : i32
      %dma_wait3A_571 = arith.constant 0 : i32
      %dma_wait3A_572 = arith.constant 0 : i32
      %dma_wait3A_573 = tpu.memref_slice %arg6[%dma_wait3A_569, %dma_wait3A_571, %dma_wait3A_572] : memref<3x256x128xf32, #tpu.memory_space<vmem>> -> memref<1x128x128xf32, #tpu.memory_space<vmem>>
      %dma_wait3A_574 = tpu.memref_squeeze %dma_wait3A_573 : memref<1x128x128xf32, #tpu.memory_space<vmem>> -> memref<128x128xf32, #tpu.memory_space<vmem>>
      %dma_wait3A_575 = arith.constant 512 : i32
      %dma_wait3A_576 = tpu.memref_slice %arg5[%dma_wait3A_575] : memref<768xi32, #tpu.memory_space<vmem>> -> memref<128xi32, #tpu.memory_space<vmem>>
      %dma_wait3A_577 = arith.constant 0 : i32
      %dma_wait3A_578 = arith.constant 0 : i32
      %dma_wait3A_579 = tpu.memref_slice %arg2[%dma_wait3A_577, %dma_wait3A_578] : memref<1000000x128xf32, #tpu.memory_space<hbm>> -> memref<1000000x128xf32, #tpu.memory_space<hbm>>
      %dma_wait3A_580 = tpu.memref_slice %arg7[%dma_wait3A_570] : memref<3x!tpu.dma_semaphore, #tpu.memory_space<semaphore_mem>> -> memref<1x!tpu.dma_semaphore, #tpu.memory_space<semaphore_mem>>
      %dma_wait3A_581 = tpu.memref_squeeze %dma_wait3A_580 : memref<1x!tpu.dma_semaphore, #tpu.memory_space<semaphore_mem>> -> memref<!tpu.dma_semaphore, #tpu.memory_space<semaphore_mem>>
      tpu.wait_indirect_dma semaphore(%dma_wait3A_581 : memref<!tpu.dma_semaphore, #tpu.memory_space<semaphore_mem>>) src(%dma_wait3A_579 : memref<1000000x128xf32, #tpu.memory_space<hbm>>) dst(%dma_wait3A_574 : memref<128x128xf32, #tpu.memory_space<vmem>>)
      %dma_wait3A_582 = arith.constant 2 : i32
      %dma_wait3A_583 = arith.constant 2 : i32
      %dma_wait3A_584 = arith.constant 0 : i32
      %dma_wait3A_585 = arith.constant 0 : i32
      %dma_wait3A_586 = tpu.memref_slice %arg6[%dma_wait3A_582, %dma_wait3A_584, %dma_wait3A_585] : memref<3x256x128xf32, #tpu.memory_space<vmem>> -> memref<1x128x128xf32, #tpu.memory_space<vmem>>
      %dma_wait3A_587 = tpu.memref_squeeze %dma_wait3A_586 : memref<1x128x128xf32, #tpu.memory_space<vmem>> -> memref<128x128xf32, #tpu.memory_space<vmem>>
      %dma_wait3A_588 = arith.constant 512 : i32
      %dma_wait3A_589 = tpu.memref_slice %arg5[%dma_wait3A_588] : memref<768xi32, #tpu.memory_space<vmem>> -> memref<128xi32, #tpu.memory_space<vmem>>
      %dma_wait3A_590 = arith.constant 0 : i32
      %dma_wait3A_591 = arith.constant 0 : i32
      %dma_wait3A_592 = tpu.memref_slice %arg2[%dma_wait3A_590, %dma_wait3A_591] : memref<1000000x128xf32, #tpu.memory_space<hbm>> -> memref<1000000x128xf32, #tpu.memory_space<hbm>>
      %dma_wait3A_593 = tpu.memref_slice %arg7[%dma_wait3A_583] : memref<3x!tpu.dma_semaphore, #tpu.memory_space<semaphore_mem>> -> memref<1x!tpu.dma_semaphore, #tpu.memory_space<semaphore_mem>>
      %dma_wait3A_594 = tpu.memref_squeeze %dma_wait3A_593 : memref<1x!tpu.dma_semaphore, #tpu.memory_space<semaphore_mem>> -> memref<!tpu.dma_semaphore, #tpu.memory_space<semaphore_mem>>
      tpu.wait_indirect_dma semaphore(%dma_wait3A_594 : memref<!tpu.dma_semaphore, #tpu.memory_space<semaphore_mem>>) src(%dma_wait3A_592 : memref<1000000x128xf32, #tpu.memory_space<hbm>>) dst(%dma_wait3A_587 : memref<128x128xf32, #tpu.memory_space<vmem>>)
      %mul3A_595 = arith.constant 256 : i32
      %mul3A_596 = arith.muli %add3A_568, %mul3A_595 : i32
      %add3A_597 = arith.addi %mul3A_2, %mul3A_596 : i32
      %dma_start3A_598 = arith.constant 2 : i32
      %dma_start3A_599 = arith.constant 2 : i32
      %dma_start3A_600 = arith.constant 0 : i32
      %dma_start3A_601 = arith.constant 0 : i32
      %dma_start3A_602 = tpu.memref_slice %arg6[%dma_start3A_598, %dma_start3A_600, %dma_start3A_601] : memref<3x256x128xf32, #tpu.memory_space<vmem>> -> memref<1x256x128xf32, #tpu.memory_space<vmem>>
      %dma_start3A_603 = tpu.memref_squeeze %dma_start3A_602 : memref<1x256x128xf32, #tpu.memory_space<vmem>> -> memref<256x128xf32, #tpu.memory_space<vmem>>
      %dma_start3A_604 = arith.constant 0 : i32
      %dma_start3A_605 = tpu.memref_slice %arg4[%add3A_597, %dma_start3A_604] : memref<819200x128xf32, #tpu.memory_space<hbm>> -> memref<256x128xf32, #tpu.memory_space<hbm>>
      %dma_start3A_606 = tpu.memref_slice %arg8[%dma_start3A_599] : memref<3x!tpu.dma_semaphore, #tpu.memory_space<semaphore_mem>> -> memref<1x!tpu.dma_semaphore, #tpu.memory_space<semaphore_mem>>
      %dma_start3A_607 = tpu.memref_squeeze %dma_start3A_606 : memref<1x!tpu.dma_semaphore, #tpu.memory_space<semaphore_mem>> -> memref<!tpu.dma_semaphore, #tpu.memory_space<semaphore_mem>>
      %dma_start3A_608 = arith.constant 0 : i32
      %dma_start3A_609 = tpu.memref_slice %arg4[%add3A_597, %dma_start3A_608] : memref<819200x128xf32, #tpu.memory_space<hbm>> -> memref<256x128xf32, #tpu.memory_space<hbm>>
      %dma_start3A_610 = arith.constant 0 : i32
      %dma_start3A_611 = arith.constant 0 : i32
      %dma_start3A_612 = tpu.memref_slice %arg6[%dma_start3A_598, %dma_start3A_610, %dma_start3A_611] : memref<3x256x128xf32, #tpu.memory_space<vmem>> -> memref<1x256x128xf32, #tpu.memory_space<vmem>>
      %dma_start3A_613 = tpu.memref_squeeze %dma_start3A_612 : memref<1x256x128xf32, #tpu.memory_space<vmem>> -> memref<256x128xf32, #tpu.memory_space<vmem>>
      tpu.enqueue_dma source(%dma_start3A_613 : memref<256x128xf32, #tpu.memory_space<vmem>>) target(%dma_start3A_609 : memref<256x128xf32, #tpu.memory_space<hbm>>) target_semaphore(%dma_start3A_607 : memref<!tpu.dma_semaphore, #tpu.memory_space<semaphore_mem>>)
      %add3A_614 = arith.constant 3 : i32
      %add3A_615 = arith.addi %add3A_568, %add3A_614 : i32
      %mul3A_616 = arith.constant 256 : i32
      %mul3A_617 = arith.muli %add3A_615, %mul3A_616 : i32
      %add3A_618 = arith.addi %mul3A_2, %mul3A_617 : i32
      "tpu.region"() ({
        %run_scoped3A = tpu.sem_alloc : memref<!tpu.dma_semaphore, #tpu.memory_space<semaphore_mem>>
        %dma_start3A_664 = arith.constant 512 : i32
        %dma_start3A_665 = tpu.memref_slice %arg5[%dma_start3A_664] : memref<768xi32, #tpu.memory_space<vmem>> -> memref<256xi32, #tpu.memory_space<vmem>>
        %dma_start3A_666 = tpu.memref_slice %arg3[%add3A_618] : memref<819200xi32, #tpu.memory_space<hbm>> -> memref<256xi32, #tpu.memory_space<hbm>>
        %dma_start3A_667 = arith.constant 512 : i32
        %dma_start3A_668 = tpu.memref_slice %arg5[%dma_start3A_667] : memref<768xi32, #tpu.memory_space<vmem>> -> memref<256xi32, #tpu.memory_space<vmem>>
        %dma_start3A_669 = tpu.memref_slice %arg3[%add3A_618] : memref<819200xi32, #tpu.memory_space<hbm>> -> memref<256xi32, #tpu.memory_space<hbm>>
        tpu.enqueue_dma source(%dma_start3A_669 : memref<256xi32, #tpu.memory_space<hbm>>) target(%dma_start3A_668 : memref<256xi32, #tpu.memory_space<vmem>>) target_semaphore(%run_scoped3A : memref<!tpu.dma_semaphore, #tpu.memory_space<semaphore_mem>>)
        %dma_wait3A_670 = arith.constant 512 : i32
        %dma_wait3A_671 = tpu.memref_slice %arg5[%dma_wait3A_670] : memref<768xi32, #tpu.memory_space<vmem>> -> memref<256xi32, #tpu.memory_space<vmem>>
        %dma_wait3A_672 = tpu.memref_slice %arg3[%add3A_618] : memref<819200xi32, #tpu.memory_space<hbm>> -> memref<256xi32, #tpu.memory_space<hbm>>
        %dma_wait3A_673 = arith.constant 512 : i32
        %dma_wait3A_674 = tpu.memref_slice %arg5[%dma_wait3A_673] : memref<768xi32, #tpu.memory_space<vmem>> -> memref<256xi32, #tpu.memory_space<vmem>>
        %dma_wait3A_675 = tpu.memref_slice %arg3[%add3A_618] : memref<819200xi32, #tpu.memory_space<hbm>> -> memref<256xi32, #tpu.memory_space<hbm>>
        tpu.wait_dma2 semaphore(%run_scoped3A : memref<!tpu.dma_semaphore, #tpu.memory_space<semaphore_mem>>) src(%dma_wait3A_675 : memref<256xi32, #tpu.memory_space<hbm>>) dst(%dma_wait3A_674 : memref<256xi32, #tpu.memory_space<vmem>>)
        tpu.yield
      }) : () -> ()
      %mul3A_619 = arith.constant 256 : i32
      %mul3A_620 = arith.muli %add3A_568, %mul3A_619 : i32
      %add3A_621 = arith.addi %mul3A_2, %mul3A_620 : i32
      %dma_wait3A_622 = arith.constant 2 : i32
      %dma_wait3A_623 = arith.constant 2 : i32
      %dma_wait3A_624 = arith.constant 0 : i32
      %dma_wait3A_625 = arith.constant 0 : i32
      %dma_wait3A_626 = tpu.memref_slice %arg6[%dma_wait3A_622, %dma_wait3A_624, %dma_wait3A_625] : memref<3x256x128xf32, #tpu.memory_space<vmem>> -> memref<1x256x128xf32, #tpu.memory_space<vmem>>
      %dma_wait3A_627 = tpu.memref_squeeze %dma_wait3A_626 : memref<1x256x128xf32, #tpu.memory_space<vmem>> -> memref<256x128xf32, #tpu.memory_space<vmem>>
      %dma_wait3A_628 = arith.constant 0 : i32
      %dma_wait3A_629 = tpu.memref_slice %arg4[%add3A_621, %dma_wait3A_628] : memref<819200x128xf32, #tpu.memory_space<hbm>> -> memref<256x128xf32, #tpu.memory_space<hbm>>
      %dma_wait3A_630 = tpu.memref_slice %arg8[%dma_wait3A_623] : memref<3x!tpu.dma_semaphore, #tpu.memory_space<semaphore_mem>> -> memref<1x!tpu.dma_semaphore, #tpu.memory_space<semaphore_mem>>
      %dma_wait3A_631 = tpu.memref_squeeze %dma_wait3A_630 : memref<1x!tpu.dma_semaphore, #tpu.memory_space<semaphore_mem>> -> memref<!tpu.dma_semaphore, #tpu.memory_space<semaphore_mem>>
      %dma_wait3A_632 = arith.constant 0 : i32
      %dma_wait3A_633 = tpu.memref_slice %arg4[%add3A_621, %dma_wait3A_632] : memref<819200x128xf32, #tpu.memory_space<hbm>> -> memref<256x128xf32, #tpu.memory_space<hbm>>
      %dma_wait3A_634 = arith.constant 0 : i32
      %dma_wait3A_635 = arith.constant 0 : i32
      %dma_wait3A_636 = tpu.memref_slice %arg6[%dma_wait3A_622, %dma_wait3A_634, %dma_wait3A_635] : memref<3x256x128xf32, #tpu.memory_space<vmem>> -> memref<1x256x128xf32, #tpu.memory_space<vmem>>
      %dma_wait3A_637 = tpu.memref_squeeze %dma_wait3A_636 : memref<1x256x128xf32, #tpu.memory_space<vmem>> -> memref<256x128xf32, #tpu.memory_space<vmem>>
      tpu.wait_dma2 semaphore(%dma_wait3A_631 : memref<!tpu.dma_semaphore, #tpu.memory_space<semaphore_mem>>) src(%dma_wait3A_637 : memref<256x128xf32, #tpu.memory_space<vmem>>) dst(%dma_wait3A_633 : memref<256x128xf32, #tpu.memory_space<hbm>>)
      %dma_start3A_638 = arith.constant 2 : i32
      %dma_start3A_639 = arith.constant 2 : i32
      %dma_start3A_640 = arith.constant 0 : i32
      %dma_start3A_641 = arith.constant 0 : i32
      %dma_start3A_642 = tpu.memref_slice %arg6[%dma_start3A_638, %dma_start3A_640, %dma_start3A_641] : memref<3x256x128xf32, #tpu.memory_space<vmem>> -> memref<1x128x128xf32, #tpu.memory_space<vmem>>
      %dma_start3A_643 = tpu.memref_squeeze %dma_start3A_642 : memref<1x128x128xf32, #tpu.memory_space<vmem>> -> memref<128x128xf32, #tpu.memory_space<vmem>>
      %dma_start3A_644 = arith.constant 512 : i32
      %dma_start3A_645 = tpu.memref_slice %arg5[%dma_start3A_644] : memref<768xi32, #tpu.memory_space<vmem>> -> memref<128xi32, #tpu.memory_space<vmem>>
      %dma_start3A_646 = arith.constant 0 : i32
      %dma_start3A_647 = arith.constant 0 : i32
      %dma_start3A_648 = tpu.memref_slice %arg2[%dma_start3A_646, %dma_start3A_647] : memref<1000000x128xf32, #tpu.memory_space<hbm>> -> memref<1000000x128xf32, #tpu.memory_space<hbm>>
      %dma_start3A_649 = tpu.memref_slice %arg7[%dma_start3A_639] : memref<3x!tpu.dma_semaphore, #tpu.memory_space<semaphore_mem>> -> memref<1x!tpu.dma_semaphore, #tpu.memory_space<semaphore_mem>>
      %dma_start3A_650 = tpu.memref_squeeze %dma_start3A_649 : memref<1x!tpu.dma_semaphore, #tpu.memory_space<semaphore_mem>> -> memref<!tpu.dma_semaphore, #tpu.memory_space<semaphore_mem>>
      tpu.enqueue_indirect_dma source(%dma_start3A_648 : memref<1000000x128xf32, #tpu.memory_space<hbm>>) target(%dma_start3A_643 : memref<128x128xf32, #tpu.memory_space<vmem>>) offsets(%dma_start3A_645 : memref<128xi32, #tpu.memory_space<vmem>>) semaphore(%dma_start3A_650 : memref<!tpu.dma_semaphore, #tpu.memory_space<semaphore_mem>>)
      %dma_start3A_651 = arith.constant 2 : i32
      %dma_start3A_652 = arith.constant 2 : i32
      %dma_start3A_653 = arith.constant 128 : i32
      %dma_start3A_654 = arith.constant 0 : i32
      %dma_start3A_655 = tpu.memref_slice %arg6[%dma_start3A_651, %dma_start3A_653, %dma_start3A_654] : memref<3x256x128xf32, #tpu.memory_space<vmem>> -> memref<1x128x128xf32, #tpu.memory_space<vmem>>
      %dma_start3A_656 = tpu.memref_squeeze %dma_start3A_655 : memref<1x128x128xf32, #tpu.memory_space<vmem>> -> memref<128x128xf32, #tpu.memory_space<vmem>>
      %dma_start3A_657 = arith.constant 640 : i32
      %dma_start3A_658 = tpu.memref_slice %arg5[%dma_start3A_657] : memref<768xi32, #tpu.memory_space<vmem>> -> memref<128xi32, #tpu.memory_space<vmem>>
      %dma_start3A_659 = arith.constant 0 : i32
      %dma_start3A_660 = arith.constant 0 : i32
      %dma_start3A_661 = tpu.memref_slice %arg2[%dma_start3A_659, %dma_start3A_660] : memref<1000000x128xf32, #tpu.memory_space<hbm>> -> memref<1000000x128xf32, #tpu.memory_space<hbm>>
      %dma_start3A_662 = tpu.memref_slice %arg7[%dma_start3A_652] : memref<3x!tpu.dma_semaphore, #tpu.memory_space<semaphore_mem>> -> memref<1x!tpu.dma_semaphore, #tpu.memory_space<semaphore_mem>>
      %dma_start3A_663 = tpu.memref_squeeze %dma_start3A_662 : memref<1x!tpu.dma_semaphore, #tpu.memory_space<semaphore_mem>> -> memref<!tpu.dma_semaphore, #tpu.memory_space<semaphore_mem>>
      tpu.enqueue_indirect_dma source(%dma_start3A_661 : memref<1000000x128xf32, #tpu.memory_space<hbm>>) target(%dma_start3A_656 : memref<128x128xf32, #tpu.memory_space<vmem>>) offsets(%dma_start3A_658 : memref<128xi32, #tpu.memory_space<vmem>>) semaphore(%dma_start3A_663 : memref<!tpu.dma_semaphore, #tpu.memory_space<semaphore_mem>>)
    }
    %scan3A_90 = arith.constant 32 : i32
    %dma_wait3A = arith.constant 0 : i32
    %dma_wait3A_91 = arith.constant 0 : i32
    %dma_wait3A_92 = arith.constant 0 : i32
    %dma_wait3A_93 = arith.constant 0 : i32
    %dma_wait3A_94 = tpu.memref_slice %arg6[%dma_wait3A, %dma_wait3A_92, %dma_wait3A_93] : memref<3x256x128xf32, #tpu.memory_space<vmem>> -> memref<1x128x128xf32, #tpu.memory_space<vmem>>
    %dma_wait3A_95 = tpu.memref_squeeze %dma_wait3A_94 : memref<1x128x128xf32, #tpu.memory_space<vmem>> -> memref<128x128xf32, #tpu.memory_space<vmem>>
    %dma_wait3A_96 = arith.constant 0 : i32
    %dma_wait3A_97 = tpu.memref_slice %arg5[%dma_wait3A_96] : memref<768xi32, #tpu.memory_space<vmem>> -> memref<128xi32, #tpu.memory_space<vmem>>
    %dma_wait3A_98 = arith.constant 0 : i32
    %dma_wait3A_99 = arith.constant 0 : i32
    %dma_wait3A_100 = tpu.memref_slice %arg2[%dma_wait3A_98, %dma_wait3A_99] : memref<1000000x128xf32, #tpu.memory_space<hbm>> -> memref<1000000x128xf32, #tpu.memory_space<hbm>>
    %dma_wait3A_101 = tpu.memref_slice %arg7[%dma_wait3A_91] : memref<3x!tpu.dma_semaphore, #tpu.memory_space<semaphore_mem>> -> memref<1x!tpu.dma_semaphore, #tpu.memory_space<semaphore_mem>>
    %dma_wait3A_102 = tpu.memref_squeeze %dma_wait3A_101 : memref<1x!tpu.dma_semaphore, #tpu.memory_space<semaphore_mem>> -> memref<!tpu.dma_semaphore, #tpu.memory_space<semaphore_mem>>
    tpu.wait_indirect_dma semaphore(%dma_wait3A_102 : memref<!tpu.dma_semaphore, #tpu.memory_space<semaphore_mem>>) src(%dma_wait3A_100 : memref<1000000x128xf32, #tpu.memory_space<hbm>>) dst(%dma_wait3A_95 : memref<128x128xf32, #tpu.memory_space<vmem>>)
    %dma_wait3A_103 = arith.constant 0 : i32
    %dma_wait3A_104 = arith.constant 0 : i32
    %dma_wait3A_105 = arith.constant 0 : i32
    %dma_wait3A_106 = arith.constant 0 : i32
    %dma_wait3A_107 = tpu.memref_slice %arg6[%dma_wait3A_103, %dma_wait3A_105, %dma_wait3A_106] : memref<3x256x128xf32, #tpu.memory_space<vmem>> -> memref<1x128x128xf32, #tpu.memory_space<vmem>>
    %dma_wait3A_108 = tpu.memref_squeeze %dma_wait3A_107 : memref<1x128x128xf32, #tpu.memory_space<vmem>> -> memref<128x128xf32, #tpu.memory_space<vmem>>
    %dma_wait3A_109 = arith.constant 0 : i32
    %dma_wait3A_110 = tpu.memref_slice %arg5[%dma_wait3A_109] : memref<768xi32, #tpu.memory_space<vmem>> -> memref<128xi32, #tpu.memory_space<vmem>>
    %dma_wait3A_111 = arith.constant 0 : i32
    %dma_wait3A_112 = arith.constant 0 : i32
    %dma_wait3A_113 = tpu.memref_slice %arg2[%dma_wait3A_111, %dma_wait3A_112] : memref<1000000x128xf32, #tpu.memory_space<hbm>> -> memref<1000000x128xf32, #tpu.memory_space<hbm>>
    %dma_wait3A_114 = tpu.memref_slice %arg7[%dma_wait3A_104] : memref<3x!tpu.dma_semaphore, #tpu.memory_space<semaphore_mem>> -> memref<1x!tpu.dma_semaphore, #tpu.memory_space<semaphore_mem>>
    %dma_wait3A_115 = tpu.memref_squeeze %dma_wait3A_114 : memref<1x!tpu.dma_semaphore, #tpu.memory_space<semaphore_mem>> -> memref<!tpu.dma_semaphore, #tpu.memory_space<semaphore_mem>>
    tpu.wait_indirect_dma semaphore(%dma_wait3A_115 : memref<!tpu.dma_semaphore, #tpu.memory_space<semaphore_mem>>) src(%dma_wait3A_113 : memref<1000000x128xf32, #tpu.memory_space<hbm>>) dst(%dma_wait3A_108 : memref<128x128xf32, #tpu.memory_space<vmem>>)
    %add3A_116 = arith.constant 24576 : i32
    %add3A_117 = arith.addi %mul3A_2, %add3A_116 : i32
    %dma_start3A_118 = arith.constant 0 : i32
    %dma_start3A_119 = arith.constant 0 : i32
    %dma_start3A_120 = arith.constant 0 : i32
    %dma_start3A_121 = arith.constant 0 : i32
    %dma_start3A_122 = tpu.memref_slice %arg6[%dma_start3A_118, %dma_start3A_120, %dma_start3A_121] : memref<3x256x128xf32, #tpu.memory_space<vmem>> -> memref<1x256x128xf32, #tpu.memory_space<vmem>>
    %dma_start3A_123 = tpu.memref_squeeze %dma_start3A_122 : memref<1x256x128xf32, #tpu.memory_space<vmem>> -> memref<256x128xf32, #tpu.memory_space<vmem>>
    %dma_start3A_124 = arith.constant 0 : i32
    %dma_start3A_125 = tpu.memref_slice %arg4[%add3A_117, %dma_start3A_124] : memref<819200x128xf32, #tpu.memory_space<hbm>> -> memref<256x128xf32, #tpu.memory_space<hbm>>
    %dma_start3A_126 = tpu.memref_slice %arg8[%dma_start3A_119] : memref<3x!tpu.dma_semaphore, #tpu.memory_space<semaphore_mem>> -> memref<1x!tpu.dma_semaphore, #tpu.memory_space<semaphore_mem>>
    %dma_start3A_127 = tpu.memref_squeeze %dma_start3A_126 : memref<1x!tpu.dma_semaphore, #tpu.memory_space<semaphore_mem>> -> memref<!tpu.dma_semaphore, #tpu.memory_space<semaphore_mem>>
    %dma_start3A_128 = arith.constant 0 : i32
    %dma_start3A_129 = tpu.memref_slice %arg4[%add3A_117, %dma_start3A_128] : memref<819200x128xf32, #tpu.memory_space<hbm>> -> memref<256x128xf32, #tpu.memory_space<hbm>>
    %dma_start3A_130 = arith.constant 0 : i32
    %dma_start3A_131 = arith.constant 0 : i32
    %dma_start3A_132 = tpu.memref_slice %arg6[%dma_start3A_118, %dma_start3A_130, %dma_start3A_131] : memref<3x256x128xf32, #tpu.memory_space<vmem>> -> memref<1x256x128xf32, #tpu.memory_space<vmem>>
    %dma_start3A_133 = tpu.memref_squeeze %dma_start3A_132 : memref<1x256x128xf32, #tpu.memory_space<vmem>> -> memref<256x128xf32, #tpu.memory_space<vmem>>
    tpu.enqueue_dma source(%dma_start3A_133 : memref<256x128xf32, #tpu.memory_space<vmem>>) target(%dma_start3A_129 : memref<256x128xf32, #tpu.memory_space<hbm>>) target_semaphore(%dma_start3A_127 : memref<!tpu.dma_semaphore, #tpu.memory_space<semaphore_mem>>)
    %add3A_134 = arith.constant 25344 : i32
    %add3A_135 = arith.addi %mul3A_2, %add3A_134 : i32
    "tpu.region"() ({
      %run_scoped3A = tpu.sem_alloc : memref<!tpu.dma_semaphore, #tpu.memory_space<semaphore_mem>>
      %dma_start3A_366 = arith.constant 0 : i32
      %dma_start3A_367 = tpu.memref_slice %arg5[%dma_start3A_366] : memref<768xi32, #tpu.memory_space<vmem>> -> memref<256xi32, #tpu.memory_space<vmem>>
      %dma_start3A_368 = tpu.memref_slice %arg3[%add3A_135] : memref<819200xi32, #tpu.memory_space<hbm>> -> memref<256xi32, #tpu.memory_space<hbm>>
      %dma_start3A_369 = arith.constant 0 : i32
      %dma_start3A_370 = tpu.memref_slice %arg5[%dma_start3A_369] : memref<768xi32, #tpu.memory_space<vmem>> -> memref<256xi32, #tpu.memory_space<vmem>>
      %dma_start3A_371 = tpu.memref_slice %arg3[%add3A_135] : memref<819200xi32, #tpu.memory_space<hbm>> -> memref<256xi32, #tpu.memory_space<hbm>>
      tpu.enqueue_dma source(%dma_start3A_371 : memref<256xi32, #tpu.memory_space<hbm>>) target(%dma_start3A_370 : memref<256xi32, #tpu.memory_space<vmem>>) target_semaphore(%run_scoped3A : memref<!tpu.dma_semaphore, #tpu.memory_space<semaphore_mem>>)
      %dma_wait3A_372 = arith.constant 0 : i32
      %dma_wait3A_373 = tpu.memref_slice %arg5[%dma_wait3A_372] : memref<768xi32, #tpu.memory_space<vmem>> -> memref<256xi32, #tpu.memory_space<vmem>>
      %dma_wait3A_374 = tpu.memref_slice %arg3[%add3A_135] : memref<819200xi32, #tpu.memory_space<hbm>> -> memref<256xi32, #tpu.memory_space<hbm>>
      %dma_wait3A_375 = arith.constant 0 : i32
      %dma_wait3A_376 = tpu.memref_slice %arg5[%dma_wait3A_375] : memref<768xi32, #tpu.memory_space<vmem>> -> memref<256xi32, #tpu.memory_space<vmem>>
      %dma_wait3A_377 = tpu.memref_slice %arg3[%add3A_135] : memref<819200xi32, #tpu.memory_space<hbm>> -> memref<256xi32, #tpu.memory_space<hbm>>
      tpu.wait_dma2 semaphore(%run_scoped3A : memref<!tpu.dma_semaphore, #tpu.memory_space<semaphore_mem>>) src(%dma_wait3A_377 : memref<256xi32, #tpu.memory_space<hbm>>) dst(%dma_wait3A_376 : memref<256xi32, #tpu.memory_space<vmem>>)
      tpu.yield
    }) : () -> ()
    %add3A_136 = arith.constant 24576 : i32
    %add3A_137 = arith.addi %mul3A_2, %add3A_136 : i32
    %dma_wait3A_138 = arith.constant 0 : i32
    %dma_wait3A_139 = arith.constant 0 : i32
    %dma_wait3A_140 = arith.constant 0 : i32
    %dma_wait3A_141 = arith.constant 0 : i32
    %dma_wait3A_142 = tpu.memref_slice %arg6[%dma_wait3A_138, %dma_wait3A_140, %dma_wait3A_141] : memref<3x256x128xf32, #tpu.memory_space<vmem>> -> memref<1x256x128xf32, #tpu.memory_space<vmem>>
    %dma_wait3A_143 = tpu.memref_squeeze %dma_wait3A_142 : memref<1x256x128xf32, #tpu.memory_space<vmem>> -> memref<256x128xf32, #tpu.memory_space<vmem>>
    %dma_wait3A_144 = arith.constant 0 : i32
    %dma_wait3A_145 = tpu.memref_slice %arg4[%add3A_137, %dma_wait3A_144] : memref<819200x128xf32, #tpu.memory_space<hbm>> -> memref<256x128xf32, #tpu.memory_space<hbm>>
    %dma_wait3A_146 = tpu.memref_slice %arg8[%dma_wait3A_139] : memref<3x!tpu.dma_semaphore, #tpu.memory_space<semaphore_mem>> -> memref<1x!tpu.dma_semaphore, #tpu.memory_space<semaphore_mem>>
    %dma_wait3A_147 = tpu.memref_squeeze %dma_wait3A_146 : memref<1x!tpu.dma_semaphore, #tpu.memory_space<semaphore_mem>> -> memref<!tpu.dma_semaphore, #tpu.memory_space<semaphore_mem>>
    %dma_wait3A_148 = arith.constant 0 : i32
    %dma_wait3A_149 = tpu.memref_slice %arg4[%add3A_137, %dma_wait3A_148] : memref<819200x128xf32, #tpu.memory_space<hbm>> -> memref<256x128xf32, #tpu.memory_space<hbm>>
    %dma_wait3A_150 = arith.constant 0 : i32
    %dma_wait3A_151 = arith.constant 0 : i32
    %dma_wait3A_152 = tpu.memref_slice %arg6[%dma_wait3A_138, %dma_wait3A_150, %dma_wait3A_151] : memref<3x256x128xf32, #tpu.memory_space<vmem>> -> memref<1x256x128xf32, #tpu.memory_space<vmem>>
    %dma_wait3A_153 = tpu.memref_squeeze %dma_wait3A_152 : memref<1x256x128xf32, #tpu.memory_space<vmem>> -> memref<256x128xf32, #tpu.memory_space<vmem>>
    tpu.wait_dma2 semaphore(%dma_wait3A_147 : memref<!tpu.dma_semaphore, #tpu.memory_space<semaphore_mem>>) src(%dma_wait3A_153 : memref<256x128xf32, #tpu.memory_space<vmem>>) dst(%dma_wait3A_149 : memref<256x128xf32, #tpu.memory_space<hbm>>)
    %dma_start3A_154 = arith.constant 0 : i32
    %dma_start3A_155 = arith.constant 0 : i32
    %dma_start3A_156 = arith.constant 0 : i32
    %dma_start3A_157 = arith.constant 0 : i32
    %dma_start3A_158 = tpu.memref_slice %arg6[%dma_start3A_154, %dma_start3A_156, %dma_start3A_157] : memref<3x256x128xf32, #tpu.memory_space<vmem>> -> memref<1x128x128xf32, #tpu.memory_space<vmem>>
    %dma_start3A_159 = tpu.memref_squeeze %dma_start3A_158 : memref<1x128x128xf32, #tpu.memory_space<vmem>> -> memref<128x128xf32, #tpu.memory_space<vmem>>
    %dma_start3A_160 = arith.constant 0 : i32
    %dma_start3A_161 = tpu.memref_slice %arg5[%dma_start3A_160] : memref<768xi32, #tpu.memory_space<vmem>> -> memref<128xi32, #tpu.memory_space<vmem>>
    %dma_start3A_162 = arith.constant 0 : i32
    %dma_start3A_163 = arith.constant 0 : i32
    %dma_start3A_164 = tpu.memref_slice %arg2[%dma_start3A_162, %dma_start3A_163] : memref<1000000x128xf32, #tpu.memory_space<hbm>> -> memref<1000000x128xf32, #tpu.memory_space<hbm>>
    %dma_start3A_165 = tpu.memref_slice %arg7[%dma_start3A_155] : memref<3x!tpu.dma_semaphore, #tpu.memory_space<semaphore_mem>> -> memref<1x!tpu.dma_semaphore, #tpu.memory_space<semaphore_mem>>
    %dma_start3A_166 = tpu.memref_squeeze %dma_start3A_165 : memref<1x!tpu.dma_semaphore, #tpu.memory_space<semaphore_mem>> -> memref<!tpu.dma_semaphore, #tpu.memory_space<semaphore_mem>>
    tpu.enqueue_indirect_dma source(%dma_start3A_164 : memref<1000000x128xf32, #tpu.memory_space<hbm>>) target(%dma_start3A_159 : memref<128x128xf32, #tpu.memory_space<vmem>>) offsets(%dma_start3A_161 : memref<128xi32, #tpu.memory_space<vmem>>) semaphore(%dma_start3A_166 : memref<!tpu.dma_semaphore, #tpu.memory_space<semaphore_mem>>)
    %dma_start3A_167 = arith.constant 0 : i32
    %dma_start3A_168 = arith.constant 0 : i32
    %dma_start3A_169 = arith.constant 128 : i32
    %dma_start3A_170 = arith.constant 0 : i32
    %dma_start3A_171 = tpu.memref_slice %arg6[%dma_start3A_167, %dma_start3A_169, %dma_start3A_170] : memref<3x256x128xf32, #tpu.memory_space<vmem>> -> memref<1x128x128xf32, #tpu.memory_space<vmem>>
    %dma_start3A_172 = tpu.memref_squeeze %dma_start3A_171 : memref<1x128x128xf32, #tpu.memory_space<vmem>> -> memref<128x128xf32, #tpu.memory_space<vmem>>
    %dma_start3A_173 = arith.constant 128 : i32
    %dma_start3A_174 = tpu.memref_slice %arg5[%dma_start3A_173] : memref<768xi32, #tpu.memory_space<vmem>> -> memref<128xi32, #tpu.memory_space<vmem>>
    %dma_start3A_175 = arith.constant 0 : i32
    %dma_start3A_176 = arith.constant 0 : i32
    %dma_start3A_177 = tpu.memref_slice %arg2[%dma_start3A_175, %dma_start3A_176] : memref<1000000x128xf32, #tpu.memory_space<hbm>> -> memref<1000000x128xf32, #tpu.memory_space<hbm>>
    %dma_start3A_178 = tpu.memref_slice %arg7[%dma_start3A_168] : memref<3x!tpu.dma_semaphore, #tpu.memory_space<semaphore_mem>> -> memref<1x!tpu.dma_semaphore, #tpu.memory_space<semaphore_mem>>
    %dma_start3A_179 = tpu.memref_squeeze %dma_start3A_178 : memref<1x!tpu.dma_semaphore, #tpu.memory_space<semaphore_mem>> -> memref<!tpu.dma_semaphore, #tpu.memory_space<semaphore_mem>>
    tpu.enqueue_indirect_dma source(%dma_start3A_177 : memref<1000000x128xf32, #tpu.memory_space<hbm>>) target(%dma_start3A_172 : memref<128x128xf32, #tpu.memory_space<vmem>>) offsets(%dma_start3A_174 : memref<128xi32, #tpu.memory_space<vmem>>) semaphore(%dma_start3A_179 : memref<!tpu.dma_semaphore, #tpu.memory_space<semaphore_mem>>)
    %dma_wait3A_180 = arith.constant 1 : i32
    %dma_wait3A_181 = arith.constant 1 : i32
    %dma_wait3A_182 = arith.constant 0 : i32
    %dma_wait3A_183 = arith.constant 0 : i32
    %dma_wait3A_184 = tpu.memref_slice %arg6[%dma_wait3A_180, %dma_wait3A_182, %dma_wait3A_183] : memref<3x256x128xf32, #tpu.memory_space<vmem>> -> memref<1x128x128xf32, #tpu.memory_space<vmem>>
    %dma_wait3A_185 = tpu.memref_squeeze %dma_wait3A_184 : memref<1x128x128xf32, #tpu.memory_space<vmem>> -> memref<128x128xf32, #tpu.memory_space<vmem>>
    %dma_wait3A_186 = arith.constant 256 : i32
    %dma_wait3A_187 = tpu.memref_slice %arg5[%dma_wait3A_186] : memref<768xi32, #tpu.memory_space<vmem>> -> memref<128xi32, #tpu.memory_space<vmem>>
    %dma_wait3A_188 = arith.constant 0 : i32
    %dma_wait3A_189 = arith.constant 0 : i32
    %dma_wait3A_190 = tpu.memref_slice %arg2[%dma_wait3A_188, %dma_wait3A_189] : memref<1000000x128xf32, #tpu.memory_space<hbm>> -> memref<1000000x128xf32, #tpu.memory_space<hbm>>
    %dma_wait3A_191 = tpu.memref_slice %arg7[%dma_wait3A_181] : memref<3x!tpu.dma_semaphore, #tpu.memory_space<semaphore_mem>> -> memref<1x!tpu.dma_semaphore, #tpu.memory_space<semaphore_mem>>
    %dma_wait3A_192 = tpu.memref_squeeze %dma_wait3A_191 : memref<1x!tpu.dma_semaphore, #tpu.memory_space<semaphore_mem>> -> memref<!tpu.dma_semaphore, #tpu.memory_space<semaphore_mem>>
    tpu.wait_indirect_dma semaphore(%dma_wait3A_192 : memref<!tpu.dma_semaphore, #tpu.memory_space<semaphore_mem>>) src(%dma_wait3A_190 : memref<1000000x128xf32, #tpu.memory_space<hbm>>) dst(%dma_wait3A_185 : memref<128x128xf32, #tpu.memory_space<vmem>>)
    %dma_wait3A_193 = arith.constant 1 : i32
    %dma_wait3A_194 = arith.constant 1 : i32
    %dma_wait3A_195 = arith.constant 0 : i32
    %dma_wait3A_196 = arith.constant 0 : i32
    %dma_wait3A_197 = tpu.memref_slice %arg6[%dma_wait3A_193, %dma_wait3A_195, %dma_wait3A_196] : memref<3x256x128xf32, #tpu.memory_space<vmem>> -> memref<1x128x128xf32, #tpu.memory_space<vmem>>
    %dma_wait3A_198 = tpu.memref_squeeze %dma_wait3A_197 : memref<1x128x128xf32, #tpu.memory_space<vmem>> -> memref<128x128xf32, #tpu.memory_space<vmem>>
    %dma_wait3A_199 = arith.constant 256 : i32
    %dma_wait3A_200 = tpu.memref_slice %arg5[%dma_wait3A_199] : memref<768xi32, #tpu.memory_space<vmem>> -> memref<128xi32, #tpu.memory_space<vmem>>
    %dma_wait3A_201 = arith.constant 0 : i32
    %dma_wait3A_202 = arith.constant 0 : i32
    %dma_wait3A_203 = tpu.memref_slice %arg2[%dma_wait3A_201, %dma_wait3A_202] : memref<1000000x128xf32, #tpu.memory_space<hbm>> -> memref<1000000x128xf32, #tpu.memory_space<hbm>>
    %dma_wait3A_204 = tpu.memref_slice %arg7[%dma_wait3A_194] : memref<3x!tpu.dma_semaphore, #tpu.memory_space<semaphore_mem>> -> memref<1x!tpu.dma_semaphore, #tpu.memory_space<semaphore_mem>>
    %dma_wait3A_205 = tpu.memref_squeeze %dma_wait3A_204 : memref<1x!tpu.dma_semaphore, #tpu.memory_space<semaphore_mem>> -> memref<!tpu.dma_semaphore, #tpu.memory_space<semaphore_mem>>
    tpu.wait_indirect_dma semaphore(%dma_wait3A_205 : memref<!tpu.dma_semaphore, #tpu.memory_space<semaphore_mem>>) src(%dma_wait3A_203 : memref<1000000x128xf32, #tpu.memory_space<hbm>>) dst(%dma_wait3A_198 : memref<128x128xf32, #tpu.memory_space<vmem>>)
    %add3A_206 = arith.constant 24832 : i32
    %add3A_207 = arith.addi %mul3A_2, %add3A_206 : i32
    %dma_start3A_208 = arith.constant 1 : i32
    %dma_start3A_209 = arith.constant 1 : i32
    %dma_start3A_210 = arith.constant 0 : i32
    %dma_start3A_211 = arith.constant 0 : i32
    %dma_start3A_212 = tpu.memref_slice %arg6[%dma_start3A_208, %dma_start3A_210, %dma_start3A_211] : memref<3x256x128xf32, #tpu.memory_space<vmem>> -> memref<1x256x128xf32, #tpu.memory_space<vmem>>
    %dma_start3A_213 = tpu.memref_squeeze %dma_start3A_212 : memref<1x256x128xf32, #tpu.memory_space<vmem>> -> memref<256x128xf32, #tpu.memory_space<vmem>>
    %dma_start3A_214 = arith.constant 0 : i32
    %dma_start3A_215 = tpu.memref_slice %arg4[%add3A_207, %dma_start3A_214] : memref<819200x128xf32, #tpu.memory_space<hbm>> -> memref<256x128xf32, #tpu.memory_space<hbm>>
    %dma_start3A_216 = tpu.memref_slice %arg8[%dma_start3A_209] : memref<3x!tpu.dma_semaphore, #tpu.memory_space<semaphore_mem>> -> memref<1x!tpu.dma_semaphore, #tpu.memory_space<semaphore_mem>>
    %dma_start3A_217 = tpu.memref_squeeze %dma_start3A_216 : memref<1x!tpu.dma_semaphore, #tpu.memory_space<semaphore_mem>> -> memref<!tpu.dma_semaphore, #tpu.memory_space<semaphore_mem>>
    %dma_start3A_218 = arith.constant 0 : i32
    %dma_start3A_219 = tpu.memref_slice %arg4[%add3A_207, %dma_start3A_218] : memref<819200x128xf32, #tpu.memory_space<hbm>> -> memref<256x128xf32, #tpu.memory_space<hbm>>
    %dma_start3A_220 = arith.constant 0 : i32
    %dma_start3A_221 = arith.constant 0 : i32
    %dma_start3A_222 = tpu.memref_slice %arg6[%dma_start3A_208, %dma_start3A_220, %dma_start3A_221] : memref<3x256x128xf32, #tpu.memory_space<vmem>> -> memref<1x256x128xf32, #tpu.memory_space<vmem>>
    %dma_start3A_223 = tpu.memref_squeeze %dma_start3A_222 : memref<1x256x128xf32, #tpu.memory_space<vmem>> -> memref<256x128xf32, #tpu.memory_space<vmem>>
    tpu.enqueue_dma source(%dma_start3A_223 : memref<256x128xf32, #tpu.memory_space<vmem>>) target(%dma_start3A_219 : memref<256x128xf32, #tpu.memory_space<hbm>>) target_semaphore(%dma_start3A_217 : memref<!tpu.dma_semaphore, #tpu.memory_space<semaphore_mem>>)
    %dma_wait3A_224 = arith.constant 2 : i32
    %dma_wait3A_225 = arith.constant 2 : i32
    %dma_wait3A_226 = arith.constant 0 : i32
    %dma_wait3A_227 = arith.constant 0 : i32
    %dma_wait3A_228 = tpu.memref_slice %arg6[%dma_wait3A_224, %dma_wait3A_226, %dma_wait3A_227] : memref<3x256x128xf32, #tpu.memory_space<vmem>> -> memref<1x128x128xf32, #tpu.memory_space<vmem>>
    %dma_wait3A_229 = tpu.memref_squeeze %dma_wait3A_228 : memref<1x128x128xf32, #tpu.memory_space<vmem>> -> memref<128x128xf32, #tpu.memory_space<vmem>>
    %dma_wait3A_230 = arith.constant 512 : i32
    %dma_wait3A_231 = tpu.memref_slice %arg5[%dma_wait3A_230] : memref<768xi32, #tpu.memory_space<vmem>> -> memref<128xi32, #tpu.memory_space<vmem>>
    %dma_wait3A_232 = arith.constant 0 : i32
    %dma_wait3A_233 = arith.constant 0 : i32
    %dma_wait3A_234 = tpu.memref_slice %arg2[%dma_wait3A_232, %dma_wait3A_233] : memref<1000000x128xf32, #tpu.memory_space<hbm>> -> memref<1000000x128xf32, #tpu.memory_space<hbm>>
    %dma_wait3A_235 = tpu.memref_slice %arg7[%dma_wait3A_225] : memref<3x!tpu.dma_semaphore, #tpu.memory_space<semaphore_mem>> -> memref<1x!tpu.dma_semaphore, #tpu.memory_space<semaphore_mem>>
    %dma_wait3A_236 = tpu.memref_squeeze %dma_wait3A_235 : memref<1x!tpu.dma_semaphore, #tpu.memory_space<semaphore_mem>> -> memref<!tpu.dma_semaphore, #tpu.memory_space<semaphore_mem>>
    tpu.wait_indirect_dma semaphore(%dma_wait3A_236 : memref<!tpu.dma_semaphore, #tpu.memory_space<semaphore_mem>>) src(%dma_wait3A_234 : memref<1000000x128xf32, #tpu.memory_space<hbm>>) dst(%dma_wait3A_229 : memref<128x128xf32, #tpu.memory_space<vmem>>)
    %dma_wait3A_237 = arith.constant 2 : i32
    %dma_wait3A_238 = arith.constant 2 : i32
    %dma_wait3A_239 = arith.constant 0 : i32
    %dma_wait3A_240 = arith.constant 0 : i32
    %dma_wait3A_241 = tpu.memref_slice %arg6[%dma_wait3A_237, %dma_wait3A_239, %dma_wait3A_240] : memref<3x256x128xf32, #tpu.memory_space<vmem>> -> memref<1x128x128xf32, #tpu.memory_space<vmem>>
    %dma_wait3A_242 = tpu.memref_squeeze %dma_wait3A_241 : memref<1x128x128xf32, #tpu.memory_space<vmem>> -> memref<128x128xf32, #tpu.memory_space<vmem>>
    %dma_wait3A_243 = arith.constant 512 : i32
    %dma_wait3A_244 = tpu.memref_slice %arg5[%dma_wait3A_243] : memref<768xi32, #tpu.memory_space<vmem>> -> memref<128xi32, #tpu.memory_space<vmem>>
    %dma_wait3A_245 = arith.constant 0 : i32
    %dma_wait3A_246 = arith.constant 0 : i32
    %dma_wait3A_247 = tpu.memref_slice %arg2[%dma_wait3A_245, %dma_wait3A_246] : memref<1000000x128xf32, #tpu.memory_space<hbm>> -> memref<1000000x128xf32, #tpu.memory_space<hbm>>
    %dma_wait3A_248 = tpu.memref_slice %arg7[%dma_wait3A_238] : memref<3x!tpu.dma_semaphore, #tpu.memory_space<semaphore_mem>> -> memref<1x!tpu.dma_semaphore, #tpu.memory_space<semaphore_mem>>
    %dma_wait3A_249 = tpu.memref_squeeze %dma_wait3A_248 : memref<1x!tpu.dma_semaphore, #tpu.memory_space<semaphore_mem>> -> memref<!tpu.dma_semaphore, #tpu.memory_space<semaphore_mem>>
    tpu.wait_indirect_dma semaphore(%dma_wait3A_249 : memref<!tpu.dma_semaphore, #tpu.memory_space<semaphore_mem>>) src(%dma_wait3A_247 : memref<1000000x128xf32, #tpu.memory_space<hbm>>) dst(%dma_wait3A_242 : memref<128x128xf32, #tpu.memory_space<vmem>>)
    %add3A_250 = arith.constant 25088 : i32
    %add3A_251 = arith.addi %mul3A_2, %add3A_250 : i32
    %dma_start3A_252 = arith.constant 2 : i32
    %dma_start3A_253 = arith.constant 2 : i32
    %dma_start3A_254 = arith.constant 0 : i32
    %dma_start3A_255 = arith.constant 0 : i32
    %dma_start3A_256 = tpu.memref_slice %arg6[%dma_start3A_252, %dma_start3A_254, %dma_start3A_255] : memref<3x256x128xf32, #tpu.memory_space<vmem>> -> memref<1x256x128xf32, #tpu.memory_space<vmem>>
    %dma_start3A_257 = tpu.memref_squeeze %dma_start3A_256 : memref<1x256x128xf32, #tpu.memory_space<vmem>> -> memref<256x128xf32, #tpu.memory_space<vmem>>
    %dma_start3A_258 = arith.constant 0 : i32
    %dma_start3A_259 = tpu.memref_slice %arg4[%add3A_251, %dma_start3A_258] : memref<819200x128xf32, #tpu.memory_space<hbm>> -> memref<256x128xf32, #tpu.memory_space<hbm>>
    %dma_start3A_260 = tpu.memref_slice %arg8[%dma_start3A_253] : memref<3x!tpu.dma_semaphore, #tpu.memory_space<semaphore_mem>> -> memref<1x!tpu.dma_semaphore, #tpu.memory_space<semaphore_mem>>
    %dma_start3A_261 = tpu.memref_squeeze %dma_start3A_260 : memref<1x!tpu.dma_semaphore, #tpu.memory_space<semaphore_mem>> -> memref<!tpu.dma_semaphore, #tpu.memory_space<semaphore_mem>>
    %dma_start3A_262 = arith.constant 0 : i32
    %dma_start3A_263 = tpu.memref_slice %arg4[%add3A_251, %dma_start3A_262] : memref<819200x128xf32, #tpu.memory_space<hbm>> -> memref<256x128xf32, #tpu.memory_space<hbm>>
    %dma_start3A_264 = arith.constant 0 : i32
    %dma_start3A_265 = arith.constant 0 : i32
    %dma_start3A_266 = tpu.memref_slice %arg6[%dma_start3A_252, %dma_start3A_264, %dma_start3A_265] : memref<3x256x128xf32, #tpu.memory_space<vmem>> -> memref<1x256x128xf32, #tpu.memory_space<vmem>>
    %dma_start3A_267 = tpu.memref_squeeze %dma_start3A_266 : memref<1x256x128xf32, #tpu.memory_space<vmem>> -> memref<256x128xf32, #tpu.memory_space<vmem>>
    tpu.enqueue_dma source(%dma_start3A_267 : memref<256x128xf32, #tpu.memory_space<vmem>>) target(%dma_start3A_263 : memref<256x128xf32, #tpu.memory_space<hbm>>) target_semaphore(%dma_start3A_261 : memref<!tpu.dma_semaphore, #tpu.memory_space<semaphore_mem>>)
    %dma_wait3A_268 = arith.constant 0 : i32
    %dma_wait3A_269 = arith.constant 0 : i32
    %dma_wait3A_270 = arith.constant 0 : i32
    %dma_wait3A_271 = arith.constant 0 : i32
    %dma_wait3A_272 = tpu.memref_slice %arg6[%dma_wait3A_268, %dma_wait3A_270, %dma_wait3A_271] : memref<3x256x128xf32, #tpu.memory_space<vmem>> -> memref<1x128x128xf32, #tpu.memory_space<vmem>>
    %dma_wait3A_273 = tpu.memref_squeeze %dma_wait3A_272 : memref<1x128x128xf32, #tpu.memory_space<vmem>> -> memref<128x128xf32, #tpu.memory_space<vmem>>
    %dma_wait3A_274 = arith.constant 0 : i32
    %dma_wait3A_275 = tpu.memref_slice %arg5[%dma_wait3A_274] : memref<768xi32, #tpu.memory_space<vmem>> -> memref<128xi32, #tpu.memory_space<vmem>>
    %dma_wait3A_276 = arith.constant 0 : i32
    %dma_wait3A_277 = arith.constant 0 : i32
    %dma_wait3A_278 = tpu.memref_slice %arg2[%dma_wait3A_276, %dma_wait3A_277] : memref<1000000x128xf32, #tpu.memory_space<hbm>> -> memref<1000000x128xf32, #tpu.memory_space<hbm>>
    %dma_wait3A_279 = tpu.memref_slice %arg7[%dma_wait3A_269] : memref<3x!tpu.dma_semaphore, #tpu.memory_space<semaphore_mem>> -> memref<1x!tpu.dma_semaphore, #tpu.memory_space<semaphore_mem>>
    %dma_wait3A_280 = tpu.memref_squeeze %dma_wait3A_279 : memref<1x!tpu.dma_semaphore, #tpu.memory_space<semaphore_mem>> -> memref<!tpu.dma_semaphore, #tpu.memory_space<semaphore_mem>>
    tpu.wait_indirect_dma semaphore(%dma_wait3A_280 : memref<!tpu.dma_semaphore, #tpu.memory_space<semaphore_mem>>) src(%dma_wait3A_278 : memref<1000000x128xf32, #tpu.memory_space<hbm>>) dst(%dma_wait3A_273 : memref<128x128xf32, #tpu.memory_space<vmem>>)
    %dma_wait3A_281 = arith.constant 0 : i32
    %dma_wait3A_282 = arith.constant 0 : i32
    %dma_wait3A_283 = arith.constant 0 : i32
    %dma_wait3A_284 = arith.constant 0 : i32
    %dma_wait3A_285 = tpu.memref_slice %arg6[%dma_wait3A_281, %dma_wait3A_283, %dma_wait3A_284] : memref<3x256x128xf32, #tpu.memory_space<vmem>> -> memref<1x128x128xf32, #tpu.memory_space<vmem>>
    %dma_wait3A_286 = tpu.memref_squeeze %dma_wait3A_285 : memref<1x128x128xf32, #tpu.memory_space<vmem>> -> memref<128x128xf32, #tpu.memory_space<vmem>>
    %dma_wait3A_287 = arith.constant 0 : i32
    %dma_wait3A_288 = tpu.memref_slice %arg5[%dma_wait3A_287] : memref<768xi32, #tpu.memory_space<vmem>> -> memref<128xi32, #tpu.memory_space<vmem>>
    %dma_wait3A_289 = arith.constant 0 : i32
    %dma_wait3A_290 = arith.constant 0 : i32
    %dma_wait3A_291 = tpu.memref_slice %arg2[%dma_wait3A_289, %dma_wait3A_290] : memref<1000000x128xf32, #tpu.memory_space<hbm>> -> memref<1000000x128xf32, #tpu.memory_space<hbm>>
    %dma_wait3A_292 = tpu.memref_slice %arg7[%dma_wait3A_282] : memref<3x!tpu.dma_semaphore, #tpu.memory_space<semaphore_mem>> -> memref<1x!tpu.dma_semaphore, #tpu.memory_space<semaphore_mem>>
    %dma_wait3A_293 = tpu.memref_squeeze %dma_wait3A_292 : memref<1x!tpu.dma_semaphore, #tpu.memory_space<semaphore_mem>> -> memref<!tpu.dma_semaphore, #tpu.memory_space<semaphore_mem>>
    tpu.wait_indirect_dma semaphore(%dma_wait3A_293 : memref<!tpu.dma_semaphore, #tpu.memory_space<semaphore_mem>>) src(%dma_wait3A_291 : memref<1000000x128xf32, #tpu.memory_space<hbm>>) dst(%dma_wait3A_286 : memref<128x128xf32, #tpu.memory_space<vmem>>)
    %add3A_294 = arith.constant 25344 : i32
    %add3A_295 = arith.addi %mul3A_2, %add3A_294 : i32
    %dma_start3A_296 = arith.constant 0 : i32
    %dma_start3A_297 = arith.constant 0 : i32
    %dma_start3A_298 = arith.constant 0 : i32
    %dma_start3A_299 = arith.constant 0 : i32
    %dma_start3A_300 = tpu.memref_slice %arg6[%dma_start3A_296, %dma_start3A_298, %dma_start3A_299] : memref<3x256x128xf32, #tpu.memory_space<vmem>> -> memref<1x256x128xf32, #tpu.memory_space<vmem>>
    %dma_start3A_301 = tpu.memref_squeeze %dma_start3A_300 : memref<1x256x128xf32, #tpu.memory_space<vmem>> -> memref<256x128xf32, #tpu.memory_space<vmem>>
    %dma_start3A_302 = arith.constant 0 : i32
    %dma_start3A_303 = tpu.memref_slice %arg4[%add3A_295, %dma_start3A_302] : memref<819200x128xf32, #tpu.memory_space<hbm>> -> memref<256x128xf32, #tpu.memory_space<hbm>>
    %dma_start3A_304 = tpu.memref_slice %arg8[%dma_start3A_297] : memref<3x!tpu.dma_semaphore, #tpu.memory_space<semaphore_mem>> -> memref<1x!tpu.dma_semaphore, #tpu.memory_space<semaphore_mem>>
    %dma_start3A_305 = tpu.memref_squeeze %dma_start3A_304 : memref<1x!tpu.dma_semaphore, #tpu.memory_space<semaphore_mem>> -> memref<!tpu.dma_semaphore, #tpu.memory_space<semaphore_mem>>
    %dma_start3A_306 = arith.constant 0 : i32
    %dma_start3A_307 = tpu.memref_slice %arg4[%add3A_295, %dma_start3A_306] : memref<819200x128xf32, #tpu.memory_space<hbm>> -> memref<256x128xf32, #tpu.memory_space<hbm>>
    %dma_start3A_308 = arith.constant 0 : i32
    %dma_start3A_309 = arith.constant 0 : i32
    %dma_start3A_310 = tpu.memref_slice %arg6[%dma_start3A_296, %dma_start3A_308, %dma_start3A_309] : memref<3x256x128xf32, #tpu.memory_space<vmem>> -> memref<1x256x128xf32, #tpu.memory_space<vmem>>
    %dma_start3A_311 = tpu.memref_squeeze %dma_start3A_310 : memref<1x256x128xf32, #tpu.memory_space<vmem>> -> memref<256x128xf32, #tpu.memory_space<vmem>>
    tpu.enqueue_dma source(%dma_start3A_311 : memref<256x128xf32, #tpu.memory_space<vmem>>) target(%dma_start3A_307 : memref<256x128xf32, #tpu.memory_space<hbm>>) target_semaphore(%dma_start3A_305 : memref<!tpu.dma_semaphore, #tpu.memory_space<semaphore_mem>>)
    %add3A_312 = arith.constant 24832 : i32
    %add3A_313 = arith.addi %mul3A_2, %add3A_312 : i32
    %dma_wait3A_314 = arith.constant 1 : i32
    %dma_wait3A_315 = arith.constant 1 : i32
    %dma_wait3A_316 = arith.constant 0 : i32
    %dma_wait3A_317 = arith.constant 0 : i32
    %dma_wait3A_318 = tpu.memref_slice %arg6[%dma_wait3A_314, %dma_wait3A_316, %dma_wait3A_317] : memref<3x256x128xf32, #tpu.memory_space<vmem>> -> memref<1x256x128xf32, #tpu.memory_space<vmem>>
    %dma_wait3A_319 = tpu.memref_squeeze %dma_wait3A_318 : memref<1x256x128xf32, #tpu.memory_space<vmem>> -> memref<256x128xf32, #tpu.memory_space<vmem>>
    %dma_wait3A_320 = arith.constant 0 : i32
    %dma_wait3A_321 = tpu.memref_slice %arg4[%add3A_313, %dma_wait3A_320] : memref<819200x128xf32, #tpu.memory_space<hbm>> -> memref<256x128xf32, #tpu.memory_space<hbm>>
    %dma_wait3A_322 = tpu.memref_slice %arg8[%dma_wait3A_315] : memref<3x!tpu.dma_semaphore, #tpu.memory_space<semaphore_mem>> -> memref<1x!tpu.dma_semaphore, #tpu.memory_space<semaphore_mem>>
    %dma_wait3A_323 = tpu.memref_squeeze %dma_wait3A_322 : memref<1x!tpu.dma_semaphore, #tpu.memory_space<semaphore_mem>> -> memref<!tpu.dma_semaphore, #tpu.memory_space<semaphore_mem>>
    %dma_wait3A_324 = arith.constant 0 : i32
    %dma_wait3A_325 = tpu.memref_slice %arg4[%add3A_313, %dma_wait3A_324] : memref<819200x128xf32, #tpu.memory_space<hbm>> -> memref<256x128xf32, #tpu.memory_space<hbm>>
    %dma_wait3A_326 = arith.constant 0 : i32
    %dma_wait3A_327 = arith.constant 0 : i32
    %dma_wait3A_328 = tpu.memref_slice %arg6[%dma_wait3A_314, %dma_wait3A_326, %dma_wait3A_327] : memref<3x256x128xf32, #tpu.memory_space<vmem>> -> memref<1x256x128xf32, #tpu.memory_space<vmem>>
    %dma_wait3A_329 = tpu.memref_squeeze %dma_wait3A_328 : memref<1x256x128xf32, #tpu.memory_space<vmem>> -> memref<256x128xf32, #tpu.memory_space<vmem>>
    tpu.wait_dma2 semaphore(%dma_wait3A_323 : memref<!tpu.dma_semaphore, #tpu.memory_space<semaphore_mem>>) src(%dma_wait3A_329 : memref<256x128xf32, #tpu.memory_space<vmem>>) dst(%dma_wait3A_325 : memref<256x128xf32, #tpu.memory_space<hbm>>)
    %add3A_330 = arith.constant 25088 : i32
    %add3A_331 = arith.addi %mul3A_2, %add3A_330 : i32
    %dma_wait3A_332 = arith.constant 2 : i32
    %dma_wait3A_333 = arith.constant 2 : i32
    %dma_wait3A_334 = arith.constant 0 : i32
    %dma_wait3A_335 = arith.constant 0 : i32
    %dma_wait3A_336 = tpu.memref_slice %arg6[%dma_wait3A_332, %dma_wait3A_334, %dma_wait3A_335] : memref<3x256x128xf32, #tpu.memory_space<vmem>> -> memref<1x256x128xf32, #tpu.memory_space<vmem>>
    %dma_wait3A_337 = tpu.memref_squeeze %dma_wait3A_336 : memref<1x256x128xf32, #tpu.memory_space<vmem>> -> memref<256x128xf32, #tpu.memory_space<vmem>>
    %dma_wait3A_338 = arith.constant 0 : i32
    %dma_wait3A_339 = tpu.memref_slice %arg4[%add3A_331, %dma_wait3A_338] : memref<819200x128xf32, #tpu.memory_space<hbm>> -> memref<256x128xf32, #tpu.memory_space<hbm>>
    %dma_wait3A_340 = tpu.memref_slice %arg8[%dma_wait3A_333] : memref<3x!tpu.dma_semaphore, #tpu.memory_space<semaphore_mem>> -> memref<1x!tpu.dma_semaphore, #tpu.memory_space<semaphore_mem>>
    %dma_wait3A_341 = tpu.memref_squeeze %dma_wait3A_340 : memref<1x!tpu.dma_semaphore, #tpu.memory_space<semaphore_mem>> -> memref<!tpu.dma_semaphore, #tpu.memory_space<semaphore_mem>>
    %dma_wait3A_342 = arith.constant 0 : i32
    %dma_wait3A_343 = tpu.memref_slice %arg4[%add3A_331, %dma_wait3A_342] : memref<819200x128xf32, #tpu.memory_space<hbm>> -> memref<256x128xf32, #tpu.memory_space<hbm>>
    %dma_wait3A_344 = arith.constant 0 : i32
    %dma_wait3A_345 = arith.constant 0 : i32
    %dma_wait3A_346 = tpu.memref_slice %arg6[%dma_wait3A_332, %dma_wait3A_344, %dma_wait3A_345] : memref<3x256x128xf32, #tpu.memory_space<vmem>> -> memref<1x256x128xf32, #tpu.memory_space<vmem>>
    %dma_wait3A_347 = tpu.memref_squeeze %dma_wait3A_346 : memref<1x256x128xf32, #tpu.memory_space<vmem>> -> memref<256x128xf32, #tpu.memory_space<vmem>>
    tpu.wait_dma2 semaphore(%dma_wait3A_341 : memref<!tpu.dma_semaphore, #tpu.memory_space<semaphore_mem>>) src(%dma_wait3A_347 : memref<256x128xf32, #tpu.memory_space<vmem>>) dst(%dma_wait3A_343 : memref<256x128xf32, #tpu.memory_space<hbm>>)
    %add3A_348 = arith.constant 25344 : i32
    %add3A_349 = arith.addi %mul3A_2, %add3A_348 : i32
    %dma_wait3A_350 = arith.constant 0 : i32
    %dma_wait3A_351 = arith.constant 0 : i32
    %dma_wait3A_352 = arith.constant 0 : i32
    %dma_wait3A_353 = arith.constant 0 : i32
    %dma_wait3A_354 = tpu.memref_slice %arg6[%dma_wait3A_350, %dma_wait3A_352, %dma_wait3A_353] : memref<3x256x128xf32, #tpu.memory_space<vmem>> -> memref<1x256x128xf32, #tpu.memory_space<vmem>>
    %dma_wait3A_355 = tpu.memref_squeeze %dma_wait3A_354 : memref<1x256x128xf32, #tpu.memory_space<vmem>> -> memref<256x128xf32, #tpu.memory_space<vmem>>
    %dma_wait3A_356 = arith.constant 0 : i32
    %dma_wait3A_357 = tpu.memref_slice %arg4[%add3A_349, %dma_wait3A_356] : memref<819200x128xf32, #tpu.memory_space<hbm>> -> memref<256x128xf32, #tpu.memory_space<hbm>>
    %dma_wait3A_358 = tpu.memref_slice %arg8[%dma_wait3A_351] : memref<3x!tpu.dma_semaphore, #tpu.memory_space<semaphore_mem>> -> memref<1x!tpu.dma_semaphore, #tpu.memory_space<semaphore_mem>>
    %dma_wait3A_359 = tpu.memref_squeeze %dma_wait3A_358 : memref<1x!tpu.dma_semaphore, #tpu.memory_space<semaphore_mem>> -> memref<!tpu.dma_semaphore, #tpu.memory_space<semaphore_mem>>
    %dma_wait3A_360 = arith.constant 0 : i32
    %dma_wait3A_361 = tpu.memref_slice %arg4[%add3A_349, %dma_wait3A_360] : memref<819200x128xf32, #tpu.memory_space<hbm>> -> memref<256x128xf32, #tpu.memory_space<hbm>>
    %dma_wait3A_362 = arith.constant 0 : i32
    %dma_wait3A_363 = arith.constant 0 : i32
    %dma_wait3A_364 = tpu.memref_slice %arg6[%dma_wait3A_350, %dma_wait3A_362, %dma_wait3A_363] : memref<3x256x128xf32, #tpu.memory_space<vmem>> -> memref<1x256x128xf32, #tpu.memory_space<vmem>>
    %dma_wait3A_365 = tpu.memref_squeeze %dma_wait3A_364 : memref<1x256x128xf32, #tpu.memory_space<vmem>> -> memref<256x128xf32, #tpu.memory_space<vmem>>
    tpu.wait_dma2 semaphore(%dma_wait3A_359 : memref<!tpu.dma_semaphore, #tpu.memory_space<semaphore_mem>>) src(%dma_wait3A_365 : memref<256x128xf32, #tpu.memory_space<vmem>>) dst(%dma_wait3A_361 : memref<256x128xf32, #tpu.memory_space<hbm>>)
    return
  }
}

</mosaic_0001>

<sc_bundles>
// kernel: kernel.3.cloned.1.call-start
scs
__scs_entry_jumppad:
0x0: {  	(pc) =	sbr.rel $0x88, $3  }
0x1: {  	(tag) =	ssettag $0x0;
	lr =	simm.s32 $0x1  }
0x2: {  	[smem:$0x3F9F] =	sst lr;
	_ =	strace $0xD0000000  }
0x3: {  	_ = 	snop  }
0x4: {  	_ = 	snop  }
0x5: {  	_ = 	snop  }
0x6: {  	_ = 	snop  }
0x7: {  	_ = 	snop  }
__scs_overlays_trampoline_lowered:
0x8: {  	[smem:$0x3FAE] =	sst s0  }
0x9: {  	[smem:$0x3FAF] =	sst s1  }
0xa: {  	[smem:$0x3FB0] =	sst s2  }
0xb: {  	[smem:$0x3FB1] =	sst s3  }
0xc: {  	[smem:$0x3FB2] =	sst s4  }
0xd: {  	[smem:$0x3FB3] =	sst s5  }
0xe: {  	[smem:$0x3FB4] =	sst s6  }
0xf: {  	[smem:$0x3FB5] =	sst s7  }
0x10: {  	[smem:$0x3FB6] =	sst s8  }
0x11: {  	[smem:$0x3FB7] =	sst s9;
	s0 =	simm.s32 @!p0 $0x0  }
0x12: {  	s1 =	sld [smem:$0x3F9D];
	s0 =	simm.s32 @p0 $0x1  }
0x13: {  	[smem:$0x3FB8] =	sst s0;
	s0 =	simm.s32 @!p1 $0x0  }
0x14: {  	s2 =	sld [smem:$0x3F9C];
	s0 =	simm.s32 @p1 $0x1  }
0x15: {  	[smem:$0x3FB9] =	sst s0;
	s0 =	simm.s32 @!p2 $0x0  }
0x16: {  	s3 =	sld [smem:$0x3FDB];
	s0 =	simm.s32 @p2 $0x1  }
0x17: {  	s4 =	simm.s32 $0x1BF5;
	[smem:$0x3FBB] =	sst s0  }
0x18: {  	s0 =	sld [smem:$0x3F9E];
	_ =	swait.ge [sflag:s4], $0x0  }
0x19: {  	s7 =	sld [smem:$0x3F9F]  }
0x1a: {  	s8 =	sadd.s32 $0xFFFFE003, lr  }
0x1b: {  	s9 =	sadd.s32 $0xFFFFFEF7, lr;
	s5 =	simm.s32 $0xFFFFFFFF;
	p2 =	slt.u32 s8, $0xFFFFF086  }
0x1c: {  	p1 =	slt.u32 s9, $0xF7A;
	s5 =	simm.s32 @!p2 $0x0  }
0x1d: {  	s5 =	simm.s32 @p1 $0x1;
	p0 =	seq.s32 s7, s2  }
0x1e: {  	s7 =	smul.u32 @!p0 $0xF7A, s2;
	p2 =	seq.s32 @!p0 s5, $0x0  }
0x1f: {  	s9 =	smul.u32 $0xF7A, s1;
	s8 =	simm.s32 @!p0 $0x1BF5;
	p2 =	por !p2, p0  }
0x20: {  	[sflag:s8] =	ssyncset.s32 @!p0 $0xFFFFF086;
	s6 =	sadd.s32 @!p0 s3, s7;
	s7 =	simm.s32 @!p0 $0x108  }
0x21: {  	s3 =	sadd.s32 s3, s9;
	s6 =	sadd.s32 @!p0 $0x88, s6;
	s7 =	simm.s32 @p2 $0x1082  }
0x22: {  	[simem:s7], [sflag:s8] =	dma.local @!p0 [hbm:s6], $0xF7A  }
0x23: {  	s9 =	sor.u32 $0xD0000000, s2;
	s6 =	simm.s32 $0x108;
	_ =	swait.ge @!p0 [sflag:s8], $0x0  }
0x24: {  	s3 =	sadd.s32 $0x88, s3;
	s6 =	simm.s32 @!p1 $0x1082;
	[sflag:s4] =	ssyncset.s32 $0xFFFFF086  }
0x25: {  	[simem:s6], [sflag:s4] =	dma.local [hbm:s3], $0xF7A  }
0x26: {  	[smem:$0x3F9F] =	sst s1;
	(tag) =	ssettag s2;
	_ =	strace s9  }
0x27: {  	s1 =	sld [smem:$0x3FAF]  }
0x28: {  	s2 =	sld [smem:$0x3FB0]  }
0x29: {  	s4 =	sld [smem:$0x3FB2]  }
0x2a: {  	p0 =	seq.s32 s5, $0x0;
	s5 =	sld [smem:$0x3FB3]  }
0x2b: {  	s6 =	sld [smem:$0x3FB4]  }
0x2c: {  	s7 =	sld [smem:$0x3FB5]  }
0x2d: {  	s3 =	simm.s32 $0x108;
	s8 =	sld [smem:$0x3FB6]  }
0x2e: {  	s3 =	simm.s32 @!p0 $0x1082;
	s9 =	sld [smem:$0x3FB7]  }
0x2f: {  	lr =	sadd.s32 s0, s3;
	s0 =	sld [smem:$0x3FAE]  }
0x30: {  	s3 =	sld [smem:$0x3FB1]  }
0x31: {  	[smem:$0x3FBA] =	sst s10  }
0x32: {  	s10 =	sld [smem:$0x3FB8];
	_ =	sdelay $0x3  }
0x33: {  	p0 =	seq.s32 s10, $0x1;
	s10 =	sld [smem:$0x3FBA];
	_ =	sdelay $0x3  }
0x34: {  	[smem:$0x3FBA] =	sst s10  }
0x35: {  	s10 =	sld [smem:$0x3FB9];
	_ =	sdelay $0x3  }
0x36: {  	p1 =	seq.s32 s10, $0x1;
	s10 =	sld [smem:$0x3FBA];
	_ =	sdelay $0x3  }
0x37: {  	[smem:$0x3FBA] =	sst s10  }
0x38: {  	s10 =	sld [smem:$0x3FBB]  }
0x39: {  	_ = 	snop;
	(pc) =	sbr.ind lr, $3  }
0x3a: {  	_ = 	snop  }
0x3b: {  	_ = 	snop  }
0x3c: {  	p2 =	seq.s32 s10, $0x1;
	s10 =	sld [smem:$0x3FBA]  }
0x3d: {  	_ =	shalt  }
0x3e: {  	_ =	shalt  }
0x3f: {  	_ =	shalt  }
0x40: {  	_ =	shalt  }
0x41: {  	_ =	shalt  }
0x42: {  	_ =	shalt  }
0x43: {  	_ =	shalt  }
0x44: {  	_ =	shalt  }
0x45: {  	_ =	shalt  }
0x46: {  	_ =	shalt  }
0x47: {  	_ =	shalt  }
0x48: {  	_ =	shalt  }
0x49: {  	_ =	shalt  }
0x4a: {  	_ =	shalt  }
0x4b: {  	_ =	shalt  }
0x4c: {  	_ =	shalt  }
0x4d: {  	_ =	shalt  }
0x4e: {  	_ =	shalt  }
0x4f: {  	_ =	shalt  }
0x50: {  	_ =	shalt  }
0x51: {  	_ =	shalt  }
0x52: {  	_ =	shalt  }
0x53: {  	_ =	shalt  }
0x54: {  	_ =	shalt  }
0x55: {  	_ =	shalt  }
0x56: {  	_ =	shalt  }
0x57: {  	_ =	shalt  }
0x58: {  	_ =	shalt  }
0x59: {  	_ =	shalt  }
0x5a: {  	_ =	shalt  }
0x5b: {  	_ =	shalt  }
0x5c: {  	_ =	shalt  }
0x5d: {  	_ =	shalt  }
0x5e: {  	_ =	shalt  }
0x5f: {  	_ =	shalt  }
0x60: {  	_ =	shalt  }
0x61: {  	_ =	shalt  }
0x62: {  	_ =	shalt  }
0x63: {  	_ =	shalt  }
0x64: {  	_ =	shalt  }
0x65: {  	_ =	shalt  }
0x66: {  	_ =	shalt  }
0x67: {  	_ =	shalt  }
0x68: {  	_ =	shalt  }
0x69: {  	_ =	shalt  }
0x6a: {  	_ =	shalt  }
0x6b: {  	_ =	shalt  }
0x6c: {  	_ =	shalt  }
0x6d: {  	_ =	shalt  }
0x6e: {  	_ =	shalt  }
0x6f: {  	_ =	shalt  }
0x70: {  	_ =	shalt  }
0x71: {  	_ =	shalt  }
0x72: {  	_ =	shalt  }
0x73: {  	_ =	shalt  }
0x74: {  	_ =	shalt  }
0x75: {  	_ =	shalt  }
0x76: {  	_ =	shalt  }
0x77: {  	_ =	shalt  }
0x78: {  	_ =	shalt  }
0x79: {  	_ =	shalt  }
0x7a: {  	_ =	shalt  }
0x7b: {  	_ =	shalt  }
0x7c: {  	_ =	shalt  }
0x7d: {  	_ =	shalt  }
0x7e: {  	_ =	shalt  }
0x7f: {  	_ =	shalt  }
0x80: {  	_ =	shalt  }
0x81: {  	_ =	shalt  }
0x82: {  	_ =	shalt  }
0x83: {  	_ =	shalt  }
0x84: {  	_ =	shalt  }
0x85: {  	_ =	shalt  }
0x86: {  	_ =	shalt  }
0x87: {  	_ =	shalt  }
.Lfunc_end0:
.L_simem_size_0:
called_computation.1_lowered:
.L_overlay_start_0:
0x88: {  	s2 =	sld [smem:$0x3FD9]  }
0x89: {  	s3 =	sld [smem:$0x3FFE];
	_ =	sdelay $0x1  }
0x8a: {  	s1 =	srdreg.scid  }
0x8b: {  	s0 =	sand.u32 $0x1, s1  }
0x8c: {  	s17 =	sshll.u32 s0, $0xA;
	s2 =	sadd.s32 s3, s2  }
0x8d: {  	s2 =	sadd.s32 s2, s17  }
0x8e: {  	[smem:$0x3FC6] =	sst s2  }
0x8f: {  	_ = 	snop  }
0x90: {  	s2 =	sld [smem:$0x3FD0];
	(tm) =	ssettm $0x1  }
0x91: {  	s18 =	sld [smem:$0x3FFB];
	_ =	sdelay $0x3  }
0x92: {  	_ =	strace s18  }
0x93: {  	s3 =	sld [smem:$0x3FFC];
	_ =	sdelay $0x3  }
0x94: {  	_ =	strace s3  }
0x95: {  	s3 =	sld [smem:$0x3FFD];
	_ =	sdelay $0x3  }
0x96: {  	_ =	strace s3  }
0x97: {  	_ =	strace $0x8FFFFFFF  }
0x98: {  	s19 =	sld [smem:$0x3FDB];
	_ =	sdelay $0x1  }
0x99: {  	s4 =	simm.s32 $_scs_section_size  }
0x9a: {  	s5 =	simm.s32 $_size__tile_overlayer_lowered;
	s6 =	simm.s32 $_tile_overlayer_lowered  }
0x9b: {  	s22 =	simm.s32 $0x1BFF;
	s21 =	sshll.u32 s6, $0x1;
	s3 =	sadd.s32 s4, s19  }
0x9c: {  	s7 =	simm.s32 $0x0;
	s20 =	sshll.u32 s5, $0x1;
	s5 =	sadd.s32 s21, s3  }
0x9d: {  	[timem:s7], [sflag:s22] =	dma.local [hbm:s5], s20  }
0x9e: {  	_ =	swait.ge [sflag:s22], s20  }
0x9f: {  	s4 =	ssub.s32 $0x0, s20;
	[sflag:s22] =	ssyncset.done $0x0  }
0xa0: {  	[sflag:s22] =	ssyncadd.s32 s4;
	_ =	sdelay $0x1  }
0xa1: {  	s23 =	simm.s32 $0x1B8B  }
0xa2: {  	_ =	swait.ge [sflag:s23], $0x1  }
0xa3: {  	[sflag:s23] =	ssyncset.done $0x0  }
0xa4: {  	s25 =	simm.s32 $0x1B8E;
	s24 =	sld [smem:$0x3FFE];
	[sflag:s23] =	ssyncadd.s32 $0xFFFFFFFF  }
0xa5: {  	s26 =	simm.s32 $execute0_lowered;
	[smem:$0x3FD2] =	sst s25  }
0xa6: {  	s5 =	sshll.u32 s26, $0x1;
	_ =	strace $0x80000046;
	[dreg:$0x1] =	wrdreg $0xFFFFFFFF  }
0xa7: {  	s28 =	simm.s32 $_size_execute0_lowered;
	s3 =	sadd.s32 s3, s5;
	[dreg:$0x0] =	wrdreg $0x0  }
0xa8: {  	s5 =	sshll.u32 s28, $0x1;
	[dreg:$0x2] =	wrdreg s3  }
0xa9: {  	[dreg:$0x3] =	wrdreg s5  }
0xaa: {  	[dreg:$0x4] =	wrdreg $0xC0  }
0xab: {  	_ =	task [dreg:s7], $0x5FFFF  }
0xac: {  	[dreg:$0x1] =	wrdreg $0xFFFFFFFF  }
0xad: {  	[dreg:$0x0] =	wrdreg $0x60  }
0xae: {  	[dreg:$0x2] =	wrdreg s24  }
0xaf: {  	[dreg:$0x3] =	wrdreg s2  }
0xb0: {  	[dreg:$0x4] =	wrdreg $0x9  }
0xb1: {  	_ =	task.clear_ibuf [dreg:s7], $0x5FFFF;
	_ =	strace $0x90000046  }
0xb2: {  	s29 =	simm.s32 $0x9;
	_ =	strace $0x80000048  }
0xb3: {  	_ =	swait.ge [sflag:s29], $0x1  }
0xb4: {  	[sflag:s29] =	ssyncadd.s32 $0xFFFFFFFF  }
0xb5: {  	_ =	strace $0x90000048  }
0xb6: {  	_ =	sfence  }
0xb7: {  	s30 =	sld [smem:$0x0];
	_ =	sdelay $0x2  }
0xb8: {  	s31 =	sshll.u32 s1, $0xD;
	s1 =	sshrl.u32 s1, $0x2  }
0xb9: {  	s3 =	sand.u32 $0x4000, s31;
	s1 =	sadd.s32 s1, s30  }
0xba: {  	s0 =	sor.u32 s3, s0;
	s1 =	sshll.u32 s1, $0x11  }
0xbb: {  	s0 =	sor.u32 s1, s0  }
0xbc: {  	s0 =	sadd.s32 $0x8F2B, s0  }
0xbd: {  	[sflag:s0] =	ssyncadd.remote.s32 $0x1  }
0xbe: {  	_ =	sfence.sel $0xFFFF  }
0xbf: {  	[dreg:$0x0] =	wrdreg $0xFFFFFFFF;
	(pc) =	sbr.abs _section_cstart, $3  }
0xc0: {  	[dreg:$0x1] =	wrdreg $0xFFFFFFFF  }
0xc1: {  	_ =	task.clear_ibuf [dreg:s7], $0x2FFFF;
	_ =	strace $0x9FFFFFFF  }
0xc2: {  	(tm) =	ssettm $0x7FFFFFFF  }
0xc3: {  	_ =	shalt  }
tec
execute0_lowered:
.L_overlay_start_1:
0x0: {  	(tag) =	ssettag $0x1  }
0x1: {  	s0 =	rddreg [dreg:$0x0]  }
0x2: {  	s1 =	srdreg.scid;
	s12 =	stileid.u32  }
0x3: {  	s5 =	rddreg [dreg:$0x1];
	s2 =	simm.s32 $0x0;
	s16 =	simm.s32 $0x7  }
0x4: {  	s28 =	simm.s32 $0x14300;
	s29 =	simm.s32 $0x1;
	s30 =	simm.s32 $0x4  }
0x5: {  	s31 =	simm.s32 $0x2;
	s1 =	sand.u32 $0x1, s1;
	s18 =	smul.u32 $0xC800, s12  }
0x6: {  	s3 =	sshll.u32 s12, $0x1;
	[smem:$0x7FF] =	sst s2;
	s22 =	smul.u32 $0xC8000, s12  }
0x7: {  	s6 =	sor.u32 s1, s3;
	_ =	strace $0x80000047;
	s10 =	smul.u32 $0x6400, s1  }
0x8: {  	s3 =	sadd.s32 $0xF42E00, s0;
	s8 =	ssub.s32 $0x2, s1;
	s7 =	smul.u32 $0x6400, s6  }
0x9: {  	s0 =	sadd.s32 $0xA00, s0;
	s9 =	sshrl.u32 s8, $0x1;
	s6 =	smul.u32 $0x320000, s6  }
0xa: {  	s1 =	smul.u32 $0x64000, s1;
	s8 =	ssub.s32 s8, s9;
	s9 =	sadd.s32 s10, s18  }
0xb: {  	s18 =	simm.s32 $0x300;
	s4 =	sshrl.u32 s7, $0x3;
	s6 =	sshrl.u32 s6, $0x3  }
0xc: {  	s7 =	sadd.s32 $0x6300, s7;
	s21 =	sadd.s32 $0x500, s9;
	s12 =	smax.u32 s8, $0x1  }
0xd: {  	s23 =	sadd.s32 $0x400, s9;
	s24 =	sor.u32 $0x300, s9;
	s4 =	sadd.s32 s5, s4  }
0xe: {  	s6 =	sadd.s32 s0, s6;
	s19 =	sshrl.u32 s7, $0x3;
	s7 =	sshll.u32 s7, $0x4  }
0xf: {  	s25 =	sshrl.u32 s23, $0x3;
	s26 =	sshrl.u32 s24, $0x3;
	s23 =	simm.s32 $0xC300  }
0x10: {  	s24 =	simm.s32 $0x200;
	s17 =	sadd.s32 $0x20, s4;
	s11 =	sadd.s32 $0x40, s4  }
0x11: {  	s13 =	sadd.s32 $0x60000, s6;
	s20 =	sadd.s32 $0x61000, s6;
	[dreg:$0x4] =	wrdreg s17  }
0x12: {  	s6 =	sadd.s32 $0x62000, s6;
	s14 =	sadd.s32 s25, s5;
	[dreg:$0x5] =	wrdreg s11  }
0x13: {  	s15 =	sadd.s32 s26, s5;
	s25 =	simm.s32 $0x10300;
	[dreg:$0x6] =	wrdreg s13  }
0x14: {  	s26 =	simm.s32 $0x280;
	s11 =	sadd.s32 s5, s19;
	[dreg:$0x8] =	wrdreg s20  }
0x15: {  	[dreg:$0x9] =	wrdreg s6;
	s6 =	sshrl.u32 s21, $0x3;
	s17 =	simm.s32 $0x80  }
0x16: {  	s19 =	simm.s32 $0x4300;
	s20 =	simm.s32 $0x100;
	s21 =	simm.s32 $0x8300  }
0x17: {  	[dreg:$0x7] =	wrdreg s11;
	s11 =	sadd.s32 s0, s7;
	s6 =	sadd.s32 s6, s5  }
0x18: {  	s0 =	sadd.s32 s22, s0;
	s22 =	simm.s32 $0x180;
	s5 =	simm.s32 $0x6  }
0x19: {  	[dreg:$0x3] =	wrdreg s6;
	s0 =	sadd.s32 s1, s0;
	s1 =	simm.s32 $0x5  }
0x1a: {  	s6 =	simm.s32 $0x0;
	s13 =	sadd.s32 $0x2000, s0;
	s0 =	simm.s32 $0x3  }
.LBB2_1:
0x1b: {  	[tilespmem:s2], [sflag:$0x7] =	stream.linear.gather [hbm4b:s4+s2], $0x100, $0x38;
	[tilespmem:$0x18300] =	vst v63  }
0x1c: {  	_ =	swait.ge [sflag:s16], $0x100  }
0x1d: {  	[sflag:s16] =	ssyncset.done $0x0  }
0x1e: {  	[sflag:s16] =	ssyncadd.s32 $0xFFFFFF00  }
0x1f: {  	[tilespmem:s18], [sflag:$0x1] =	stream.indirect.gather [hbm4b:s3+s17], $0x80, s2, s17, $0xb8;
	[tilespmem:$0x18300] =	vst v63  }
0x20: {  	_ = 	snop  }
0x21: {  	[tilespmem:s19], [sflag:$0x1] =	stream.indirect.gather [hbm4b:s3+s17], $0x80, s17, s17, $0xb8;
	[tilespmem:$0x18300] =	vst v63  }
0x22: {  	s7 =	rddreg [dreg:$0x4]  }
0x23: {  	[tilespmem:s20], [sflag:$0x7] =	stream.linear.gather [hbm4b:s7+s2], $0x100, $0x38;
	[tilespmem:$0x18300] =	vst v63  }
0x24: {  	_ =	swait.ge [sflag:s16], $0x100  }
0x25: {  	[sflag:s16] =	ssyncset.done $0x0  }
0x26: {  	[sflag:s16] =	ssyncadd.s32 $0xFFFFFF00  }
0x27: {  	[tilespmem:s21], [sflag:$0x2] =	stream.indirect.gather [hbm4b:s3+s17], $0x80, s20, s17, $0xb8;
	[tilespmem:$0x18300] =	vst v63  }
0x28: {  	_ = 	snop  }
0x29: {  	[tilespmem:s23], [sflag:$0x2] =	stream.indirect.gather [hbm4b:s3+s17], $0x80, s22, s17, $0xb8;
	[tilespmem:$0x18300] =	vst v63  }
0x2a: {  	s8 =	rddreg [dreg:$0x5]  }
0x2b: {  	[tilespmem:s24], [sflag:$0x7] =	stream.linear.gather [hbm4b:s8+s2], $0x100, $0x38;
	[tilespmem:$0x18300] =	vst v63  }
0x2c: {  	_ =	swait.ge [sflag:s16], $0x100  }
0x2d: {  	[sflag:s16] =	ssyncset.done $0x0  }
0x2e: {  	[sflag:s16] =	ssyncadd.s32 $0xFFFFFF00  }
0x2f: {  	[tilespmem:s25], [sflag:$0x3] =	stream.indirect.gather [hbm4b:s3+s17], $0x80, s24, s17, $0xb8;
	[tilespmem:$0x18300] =	vst v63  }
0x30: {  	_ = 	snop  }
0x31: {  	[tilespmem:s28], [sflag:$0x3] =	stream.indirect.gather [hbm4b:s3+s17], $0x80, s26, s17, $0xb8;
	[tilespmem:$0x18300] =	vst v63  }
0x32: {  	_ =	swait.ge [sflag:s29], $0x4000  }
0x33: {  	[sflag:s29] =	ssyncset.done $0x0  }
0x34: {  	[sflag:s29] =	ssyncadd.s32 $0xFFFFC000  }
0x35: {  	_ =	swait.ge [sflag:s29], $0x4000  }
0x36: {  	[sflag:s29] =	ssyncset.done $0x0  }
0x37: {  	s9 =	sadd.s32 $0xFFFFE000, s13;
	[sflag:s29] =	ssyncadd.s32 $0xFFFFC000  }
0x38: {  	[hbm4b:s9+s2] =	stream.linear.scatter [tilespmem:s18], [sflag:$0x4], $0x8000, $0x38;
	[tilespmem:$0x18300] =	vst v63  }
0x39: {  	s10 =	sadd.s32 $0x0, s15  }
0x3a: {  	[tilespmem:s2], [sflag:$0x7] =	stream.linear.gather [hbm4b:s10+s2], $0x100, $0x38;
	[tilespmem:$0x18300] =	vst v63  }
0x3b: {  	_ =	swait.ge [sflag:s16], $0x100  }
0x3c: {  	[sflag:s16] =	ssyncset.done $0x0  }
0x3d: {  	[sflag:s16] =	ssyncadd.s32 $0xFFFFFF00  }
0x3e: {  	_ =	swait.ge [sflag:s30], $0x8000  }
0x3f: {  	[sflag:s30] =	ssyncset.done $0x0  }
0x40: {  	[sflag:s30] =	ssyncadd.s32 $0xFFFF8000  }
0x41: {  	[tilespmem:s18], [sflag:$0x1] =	stream.indirect.gather [hbm4b:s3+s17], $0x80, s2, s17, $0xb8;
	[tilespmem:$0x18300] =	vst v63  }
0x42: {  	_ = 	snop  }
0x43: {  	[tilespmem:s19], [sflag:$0x1] =	stream.indirect.gather [hbm4b:s3+s17], $0x80, s17, s17, $0xb8;
	[tilespmem:$0x18300] =	vst v63  }
0x44: {  	_ =	swait.ge [sflag:s31], $0x4000  }
0x45: {  	[sflag:s31] =	ssyncset.done $0x0  }
0x46: {  	[sflag:s31] =	ssyncadd.s32 $0xFFFFC000  }
0x47: {  	_ =	swait.ge [sflag:s31], $0x4000  }
0x48: {  	[sflag:s31] =	ssyncset.done $0x0  }
0x49: {  	s8 =	sadd.s32 $0xFFFFF000, s13;
	[sflag:s31] =	ssyncadd.s32 $0xFFFFC000  }
0x4a: {  	[hbm4b:s8+s2] =	stream.linear.scatter [tilespmem:s21], [sflag:$0x5], $0x8000, $0x38;
	[tilespmem:$0x18300] =	vst v63  }
0x4b: {  	s9 =	sadd.s32 $0x0, s14  }
0x4c: {  	[tilespmem:s20], [sflag:$0x7] =	stream.linear.gather [hbm4b:s9+s2], $0x100, $0x38;
	[tilespmem:$0x18300] =	vst v63  }
0x4d: {  	_ =	swait.ge [sflag:s16], $0x100  }
0x4e: {  	[sflag:s16] =	ssyncset.done $0x0  }
0x4f: {  	[sflag:s16] =	ssyncadd.s32 $0xFFFFFF00  }
0x50: {  	_ =	swait.ge [sflag:s1], $0x8000  }
0x51: {  	[sflag:s1] =	ssyncset.done $0x0  }
0x52: {  	[sflag:s1] =	ssyncadd.s32 $0xFFFF8000  }
0x53: {  	[tilespmem:s21], [sflag:$0x2] =	stream.indirect.gather [hbm4b:s3+s17], $0x80, s20, s17, $0xb8;
	[tilespmem:$0x18300] =	vst v63  }
0x54: {  	_ = 	snop  }
0x55: {  	[tilespmem:s23], [sflag:$0x2] =	stream.indirect.gather [hbm4b:s3+s17], $0x80, s22, s17, $0xb8;
	[tilespmem:$0x18300] =	vst v63  }
0x56: {  	_ =	swait.ge [sflag:s0], $0x4000  }
0x57: {  	[sflag:s0] =	ssyncset.done $0x0  }
0x58: {  	[sflag:s0] =	ssyncadd.s32 $0xFFFFC000  }
0x59: {  	_ =	swait.ge [sflag:s0], $0x4000  }
0x5a: {  	[sflag:s0] =	ssyncset.done $0x0  }
0x5b: {  	s10 =	rddreg [dreg:$0x3];
	[sflag:s0] =	ssyncadd.s32 $0xFFFFC000  }
0x5c: {  	[hbm4b:s13+s2] =	stream.linear.scatter [tilespmem:s25], [sflag:$0x6], $0x8000, $0x38;
	[tilespmem:$0x18300] =	vst v63  }
0x5d: {  	s7 =	sadd.s32 $0x0, s10  }
0x5e: {  	[tilespmem:s24], [sflag:$0x7] =	stream.linear.gather [hbm4b:s7+s2], $0x100, $0x38;
	[tilespmem:$0x18300] =	vst v63  }
0x5f: {  	_ =	swait.ge [sflag:s16], $0x100  }
0x60: {  	[sflag:s16] =	ssyncset.done $0x0  }
0x61: {  	[sflag:s16] =	ssyncadd.s32 $0xFFFFFF00  }
0x62: {  	_ =	swait.ge [sflag:s5], $0x8000  }
0x63: {  	[sflag:s5] =	ssyncset.done $0x0  }
0x64: {  	s8 =	sadd.s32 $0x3000, s13;
	s7 =	simm.s32 $0x60;
	[sflag:s5] =	ssyncadd.s32 $0xFFFF8000  }
0x65: {  	[tilespmem:s25], [sflag:$0x3] =	stream.indirect.gather [hbm4b:s3+s17], $0x80, s24, s17, $0xb8;
	[tilespmem:$0x18300] =	vst v63  }
.LBB2_2:
0x66: {  	[tilespmem:s28], [sflag:$0x3] =	stream.indirect.gather [hbm4b:s3+s17], $0x80, s26, s17, $0xb8;
	[tilespmem:$0x18300] =	vst v63  }
0x67: {  	_ =	swait.ge [sflag:s29], $0x4000  }
0x68: {  	[sflag:s29] =	ssyncset.done $0x0  }
0x69: {  	[sflag:s29] =	ssyncadd.s32 $0xFFFFC000  }
0x6a: {  	_ =	swait.ge [sflag:s29], $0x4000  }
0x6b: {  	[sflag:s29] =	ssyncset.done $0x0  }
0x6c: {  	s9 =	smov.u32 s7;
	s10 =	sadd.s32 $0xFFFFE000, s8;
	[sflag:s29] =	ssyncadd.s32 $0xFFFFC000  }
0x6d: {  	[hbm4b:s10+s2] =	stream.linear.scatter [tilespmem:s18], [sflag:$0x4], $0x8000, $0x38;
	[tilespmem:$0x18300] =	vst v63  }
0x6e: {  	s10 =	sadd.s32 s9, s15  }
0x6f: {  	[tilespmem:s2], [sflag:$0x7] =	stream.linear.gather [hbm4b:s10+s2], $0x100, $0x38;
	[tilespmem:$0x18300] =	vst v63  }
0x70: {  	_ =	swait.ge [sflag:s16], $0x100  }
0x71: {  	[sflag:s16] =	ssyncset.done $0x0  }
0x72: {  	[sflag:s16] =	ssyncadd.s32 $0xFFFFFF00  }
0x73: {  	_ =	swait.ge [sflag:s30], $0x8000  }
0x74: {  	[sflag:s30] =	ssyncset.done $0x0  }
0x75: {  	[sflag:s30] =	ssyncadd.s32 $0xFFFF8000  }
0x76: {  	[tilespmem:s18], [sflag:$0x1] =	stream.indirect.gather [hbm4b:s3+s17], $0x80, s2, s17, $0xb8;
	[tilespmem:$0x18300] =	vst v63  }
0x77: {  	_ = 	snop  }
0x78: {  	[tilespmem:s19], [sflag:$0x1] =	stream.indirect.gather [hbm4b:s3+s17], $0x80, s17, s17, $0xb8;
	[tilespmem:$0x18300] =	vst v63  }
0x79: {  	_ =	swait.ge [sflag:s31], $0x4000  }
0x7a: {  	[sflag:s31] =	ssyncset.done $0x0  }
0x7b: {  	[sflag:s31] =	ssyncadd.s32 $0xFFFFC000  }
0x7c: {  	_ =	swait.ge [sflag:s31], $0x4000  }
0x7d: {  	[sflag:s31] =	ssyncset.done $0x0  }
0x7e: {  	s10 =	sadd.s32 $0xFFFFF000, s8;
	[sflag:s31] =	ssyncadd.s32 $0xFFFFC000  }
0x7f: {  	[hbm4b:s10+s2] =	stream.linear.scatter [tilespmem:s21], [sflag:$0x5], $0x8000, $0x38;
	[tilespmem:$0x18300] =	vst v63  }
0x80: {  	s10 =	sadd.s32 s9, s14  }
0x81: {  	[tilespmem:s20], [sflag:$0x7] =	stream.linear.gather [hbm4b:s10+s2], $0x100, $0x38;
	[tilespmem:$0x18300] =	vst v63  }
0x82: {  	_ =	swait.ge [sflag:s16], $0x100  }
0x83: {  	[sflag:s16] =	ssyncset.done $0x0  }
0x84: {  	[sflag:s16] =	ssyncadd.s32 $0xFFFFFF00  }
0x85: {  	_ =	swait.ge [sflag:s1], $0x8000  }
0x86: {  	[sflag:s1] =	ssyncset.done $0x0  }
0x87: {  	[sflag:s1] =	ssyncadd.s32 $0xFFFF8000  }
0x88: {  	[tilespmem:s21], [sflag:$0x2] =	stream.indirect.gather [hbm4b:s3+s17], $0x80, s20, s17, $0xb8;
	[tilespmem:$0x18300] =	vst v63  }
0x89: {  	_ = 	snop  }
0x8a: {  	[tilespmem:s23], [sflag:$0x2] =	stream.indirect.gather [hbm4b:s3+s17], $0x80, s22, s17, $0xb8;
	[tilespmem:$0x18300] =	vst v63  }
0x8b: {  	_ =	swait.ge [sflag:s0], $0x4000  }
0x8c: {  	[sflag:s0] =	ssyncset.done $0x0  }
0x8d: {  	[sflag:s0] =	ssyncadd.s32 $0xFFFFC000  }
0x8e: {  	_ =	swait.ge [sflag:s0], $0x4000  }
0x8f: {  	[sflag:s0] =	ssyncset.done $0x0  }
0x90: {  	s10 =	rddreg [dreg:$0x3];
	[sflag:s0] =	ssyncadd.s32 $0xFFFFC000  }
0x91: {  	[hbm4b:s8+s2] =	stream.linear.scatter [tilespmem:s25], [sflag:$0x6], $0x8000, $0x38;
	[tilespmem:$0x18300] =	vst v63  }
0x92: {  	s9 =	sadd.s32 s9, s10  }
0x93: {  	[tilespmem:s24], [sflag:$0x7] =	stream.linear.gather [hbm4b:s9+s2], $0x100, $0x38;
	[tilespmem:$0x18300] =	vst v63  }
0x94: {  	_ =	swait.ge [sflag:s16], $0x100  }
0x95: {  	p0 =	sne.s32 s7, $0xBA0;
	[sflag:s16] =	ssyncset.done $0x0  }
.Ltmp0:
0x96: {  	[sflag:s16] =	ssyncadd.s32 $0xFFFFFF00;
	(pc) =	sbr.rel @p0 .LBB2_2-.Ltmp0, $4  }
0x97: {  	_ =	swait.ge [sflag:s5], $0x8000  }
0x98: {  	[sflag:s5] =	ssyncset.done $0x0  }
0x99: {  	s7 =	sadd.s32 $0x60, s7;
	s8 =	sadd.s32 $0x3000, s8;
	[sflag:s5] =	ssyncadd.s32 $0xFFFF8000  }
0x9a: {  	[tilespmem:s25], [sflag:$0x3] =	stream.indirect.gather [hbm4b:s3+s17], $0x80, s24, s17, $0xb8;
	[tilespmem:$0x18300] =	vst v63  }
0x9b: {  	[tilespmem:s28], [sflag:$0x3] =	stream.indirect.gather [hbm4b:s3+s17], $0x80, s26, s17, $0xb8;
	[tilespmem:$0x18300] =	vst v63  }
0x9c: {  	_ =	swait.ge [sflag:s29], $0x4000  }
0x9d: {  	[sflag:s29] =	ssyncset.done $0x0  }
0x9e: {  	[sflag:s29] =	ssyncadd.s32 $0xFFFFC000  }
0x9f: {  	_ =	swait.ge [sflag:s29], $0x4000  }
0xa0: {  	[sflag:s29] =	ssyncset.done $0x0  }
0xa1: {  	s7 =	rddreg [dreg:$0x6];
	[sflag:s29] =	ssyncadd.s32 $0xFFFFC000  }
0xa2: {  	[hbm4b:s7+s2] =	stream.linear.scatter [tilespmem:s18], [sflag:$0x4], $0x8000, $0x38;
	[tilespmem:$0x18300] =	vst v63  }
0xa3: {  	s8 =	rddreg [dreg:$0x7]  }
0xa4: {  	[tilespmem:s2], [sflag:$0x7] =	stream.linear.gather [hbm4b:s8+s2], $0x100, $0x38;
	[tilespmem:$0x18300] =	vst v63  }
0xa5: {  	_ =	swait.ge [sflag:s16], $0x100  }
0xa6: {  	[sflag:s16] =	ssyncset.done $0x0  }
0xa7: {  	[sflag:s16] =	ssyncadd.s32 $0xFFFFFF00  }
0xa8: {  	_ =	swait.ge [sflag:s30], $0x8000  }
0xa9: {  	[sflag:s30] =	ssyncset.done $0x0  }
0xaa: {  	[sflag:s30] =	ssyncadd.s32 $0xFFFF8000  }
0xab: {  	[tilespmem:s18], [sflag:$0x1] =	stream.indirect.gather [hbm4b:s3+s17], $0x80, s2, s17, $0xb8;
	[tilespmem:$0x18300] =	vst v63  }
0xac: {  	_ = 	snop  }
0xad: {  	[tilespmem:s19], [sflag:$0x1] =	stream.indirect.gather [hbm4b:s3+s17], $0x80, s17, s17, $0xb8;
	[tilespmem:$0x18300] =	vst v63  }
0xae: {  	_ =	swait.ge [sflag:s31], $0x4000  }
0xaf: {  	[sflag:s31] =	ssyncset.done $0x0  }
0xb0: {  	[sflag:s31] =	ssyncadd.s32 $0xFFFFC000  }
0xb1: {  	_ =	swait.ge [sflag:s31], $0x4000  }
0xb2: {  	[sflag:s31] =	ssyncset.done $0x0  }
0xb3: {  	s9 =	rddreg [dreg:$0x8];
	[sflag:s31] =	ssyncadd.s32 $0xFFFFC000  }
0xb4: {  	[hbm4b:s9+s2] =	stream.linear.scatter [tilespmem:s21], [sflag:$0x5], $0x8000, $0x38;
	[tilespmem:$0x18300] =	vst v63  }
0xb5: {  	_ =	swait.ge [sflag:s0], $0x4000  }
0xb6: {  	[sflag:s0] =	ssyncset.done $0x0  }
0xb7: {  	[sflag:s0] =	ssyncadd.s32 $0xFFFFC000  }
0xb8: {  	_ =	swait.ge [sflag:s0], $0x4000  }
0xb9: {  	[sflag:s0] =	ssyncset.done $0x0  }
0xba: {  	s10 =	rddreg [dreg:$0x9];
	[sflag:s0] =	ssyncadd.s32 $0xFFFFC000  }
0xbb: {  	[hbm4b:s10+s2] =	stream.linear.scatter [tilespmem:s25], [sflag:$0x6], $0x8000, $0x38;
	[tilespmem:$0x18300] =	vst v63  }
0xbc: {  	_ =	swait.ge [sflag:s29], $0x4000  }
0xbd: {  	[sflag:s29] =	ssyncset.done $0x0  }
0xbe: {  	[sflag:s29] =	ssyncadd.s32 $0xFFFFC000  }
0xbf: {  	_ =	swait.ge [sflag:s29], $0x4000  }
0xc0: {  	[sflag:s29] =	ssyncset.done $0x0  }
0xc1: {  	[sflag:s29] =	ssyncadd.s32 $0xFFFFC000  }
0xc2: {  	[hbm4b:s11+s2] =	stream.linear.scatter [tilespmem:s18], [sflag:$0x4], $0x8000, $0x38;
	[tilespmem:$0x18300] =	vst v63  }
0xc3: {  	_ =	swait.ge [sflag:s1], $0x8000  }
0xc4: {  	[sflag:s1] =	ssyncset.done $0x0  }
0xc5: {  	s6 =	sadd.s32 $0x1, s6;
	[sflag:s1] =	ssyncadd.s32 $0xFFFF8000  }
0xc6: {  	p0 =	sne.s32 s6, s12;
	_ =	swait.ge [sflag:s5], $0x8000  }
.Ltmp1:
0xc7: {  	[sflag:s5] =	ssyncset.done $0x0;
	(pc) =	sbr.rel @p0 .LBB2_1-.Ltmp1, $4  }
0xc8: {  	[sflag:s5] =	ssyncadd.s32 $0xFFFF8000  }
0xc9: {  	_ =	swait.ge [sflag:s30], $0x8000  }
0xca: {  	[sflag:s30] =	ssyncset.done $0x0  }
0xcb: {  	[sflag:s30] =	ssyncadd.s32 $0xFFFF8000  }
0xcc: {  	_ =	sfence.sel $0x180000  }
0xcd: {  	[bflag:$0x0] =	sbarrier.arrive $0xFFFF  }
0xce: {  	_ =	strace $0x90000047  }
0xcf: {  	s0 =	stileid.u32;
	[bflag:$0x2] =	sbarrier.arrive $0xFFFF  }
0xd0: {  	p0 =	sne.s32 s0, $0x0;
	s0 =	rddreg [dreg:$0x2]  }
0xd1: {  	s0 =	sadd.s32 @!p0 $0x100000, s0  }
0xd2: {  	[sflag:s0] =	ssyncadd.tile.s32 @!p0 $0x1;
	_ =	shalt  }
.Lfunc_end2:
_tile_overlayer_lowered:
.L_overlay_start_2:
0xd3: {  	(tag) =	ssettag $0x2  }
0xd4: {  	s0 =	rddreg [dreg:$0x0];
	s2 =	stileid.u32  }
0xd5: {  	s1 =	rddreg [dreg:$0x1];
	p0 =	sne.s32 s2, $0x0  }
0xd6: {  	s3 =	rddreg [dreg:$0x2];
	[bflag:$0x3] =	sbarrier.arrive $0xFFFF;
	s2 =	simm.s32 @!p0 $0x1C07  }
0xd7: {  	[timem:s3], [sflag:s2] =	dma.local @!p0 [hbm:s0], s1  }
0xd8: {  	s0 =	simm.s32 @!p0 $0x7  }
0xd9: {  	_ =	swait.ge @!p0 [sflag:s0], s1  }
0xda: {  	s1 =	ssub.s32 @!p0 $0x0, s1;
	[sflag:s0] =	ssyncset.done @!p0 $0x0  }
0xdb: {  	[sflag:s0] =	ssyncadd.s32 @!p0 s1  }
0xdc: {  	[bflag:$0x3] =	sbarrier.arrive $0xFFFF  }
0xdd: {  	_ =	shalt  }

// kernel: sparse-core-data-format-call.cloned.1.call-start
scs
called_computation_lowered:
.L_overlay_start_0:
0x0: {  	s2 =	sld [smem:$0x3FD9]  }
0x1: {  	s3 =	sld [smem:$0x3FFE];
	_ =	sdelay $0x1  }
0x2: {  	s1 =	srdreg.scid  }
0x3: {  	s0 =	sand.u32 $0x1, s1  }
0x4: {  	s18 =	sshll.u32 s0, $0xA;
	s2 =	sadd.s32 s3, s2  }
0x5: {  	s2 =	sadd.s32 s2, s18  }
0x6: {  	[smem:$0x3FC6] =	sst s2  }
0x7: {  	_ = 	snop  }
0x8: {  	s2 =	sld [smem:$0x3FD0];
	(tm) =	ssettm $0x1  }
0x9: {  	s19 =	sld [smem:$0x3FFB];
	_ =	sdelay $0x3  }
0xa: {  	_ =	strace s19  }
0xb: {  	s3 =	sld [smem:$0x3FFC];
	_ =	sdelay $0x3  }
0xc: {  	_ =	strace s3  }
0xd: {  	s3 =	sld [smem:$0x3FFD];
	_ =	sdelay $0x3  }
0xe: {  	_ =	strace s3  }
0xf: {  	_ =	strace $0x8FFFFFFF  }
0x10: {  	s20 =	sld [smem:$0x3FDB];
	_ =	sdelay $0x1  }
0x11: {  	s4 =	simm.s32 $_scs_section_size  }
0x12: {  	s5 =	simm.s32 $_size__tile_overlayer_lowered;
	s6 =	simm.s32 $_tile_overlayer_lowered  }
0x13: {  	s23 =	simm.s32 $0x1BFF;
	s22 =	sshll.u32 s6, $0x1;
	s3 =	sadd.s32 s4, s20  }
0x14: {  	s7 =	simm.s32 $0x0;
	s21 =	sshll.u32 s5, $0x1;
	s5 =	sadd.s32 s22, s3  }
0x15: {  	[timem:s7], [sflag:s23] =	dma.local [hbm:s5], s21  }
0x16: {  	_ =	swait.ge [sflag:s23], s21  }
0x17: {  	s4 =	ssub.s32 $0x0, s21;
	[sflag:s23] =	ssyncset.done $0x0  }
0x18: {  	[sflag:s23] =	ssyncadd.s32 s4;
	_ =	sdelay $0x1  }
0x19: {  	s24 =	simm.s32 $0x1B8B  }
0x1a: {  	_ =	swait.ge [sflag:s24], $0x1  }
0x1b: {  	[sflag:s24] =	ssyncset.done $0x0  }
0x1c: {  	s26 =	simm.s32 $0x1B8E;
	s25 =	sld [smem:$0x3FFE];
	[sflag:s24] =	ssyncadd.s32 $0xFFFFFFFF  }
0x1d: {  	s27 =	simm.s32 $execute0_lowered;
	[smem:$0x3FD2] =	sst s26  }
0x1e: {  	s5 =	sshll.u32 s27, $0x1;
	_ =	strace $0x80000049;
	[dreg:$0x1] =	wrdreg $0xFFFFFFFF  }
0x1f: {  	s28 =	simm.s32 $_size_execute0_lowered;
	s3 =	sadd.s32 s3, s5;
	[dreg:$0x0] =	wrdreg $0x0  }
0x20: {  	s5 =	sshll.u32 s28, $0x1;
	[dreg:$0x2] =	wrdreg s3  }
0x21: {  	[dreg:$0x3] =	wrdreg s5  }
0x22: {  	[dreg:$0x4] =	wrdreg $0xC0  }
0x23: {  	_ =	task [dreg:s7], $0x5FFFF  }
0x24: {  	[dreg:$0x1] =	wrdreg $0xFFFFFFFF  }
0x25: {  	[dreg:$0x0] =	wrdreg $0x60  }
0x26: {  	[dreg:$0x2] =	wrdreg s25  }
0x27: {  	[dreg:$0x3] =	wrdreg s2  }
0x28: {  	[dreg:$0x4] =	wrdreg $0x9  }
0x29: {  	_ =	task.clear_ibuf [dreg:s7], $0x5FFFF;
	_ =	strace $0x90000049  }
0x2a: {  	s29 =	simm.s32 $0x9;
	_ =	strace $0x8000004B  }
0x2b: {  	_ =	swait.ge [sflag:s29], $0x1  }
0x2c: {  	[sflag:s29] =	ssyncadd.s32 $0xFFFFFFFF  }
0x2d: {  	_ =	strace $0x9000004B  }
0x2e: {  	_ =	sfence  }
0x2f: {  	s30 =	sld [smem:$0x0];
	_ =	sdelay $0x2  }
0x30: {  	s31 =	sshll.u32 s1, $0xD;
	s1 =	sshrl.u32 s1, $0x2  }
0x31: {  	s3 =	sand.u32 $0x4000, s31;
	s1 =	sadd.s32 s1, s30  }
0x32: {  	s0 =	sor.u32 s3, s0;
	s1 =	sshll.u32 s1, $0x11  }
0x33: {  	s0 =	sor.u32 s1, s0  }
0x34: {  	s0 =	sadd.s32 $0x8F2B, s0  }
0x35: {  	[sflag:s0] =	ssyncadd.remote.s32 $0x1  }
0x36: {  	_ =	sfence.sel $0xFFFF  }
0x37: {  	[dreg:$0x0] =	wrdreg $0xFFFFFFFF;
	(pc) =	sbr.abs _section_cstart, $3  }
0x38: {  	[dreg:$0x1] =	wrdreg $0xFFFFFFFF  }
0x39: {  	_ =	task.clear_ibuf [dreg:s7], $0x2FFFF;
	_ =	strace $0x9FFFFFFF  }
0x3a: {  	(tm) =	ssettm $0x7FFFFFFF  }
0x3b: {  	_ =	shalt  }
tec
execute0_lowered:
.L_overlay_start_1:
0x0: {  	(tag) =	ssettag $0x1  }
0x1: {  	s0 =	srdreg.scid  }
0x2: {  	s1 =	sshll.u32 s0, $0x4  }
0x3: {  	s0 =	stileid.u32;
	s1 =	sand.u32 $0x10, s1  }
0x4: {  	s1 =	sor.u32 s0, s1  }
0x5: {  	s6 =	rddreg [dreg:$0x0];
	s4 =	simm.s32 $0x1;
	s2 =	sshll.u32 s1, $0x7  }
0x6: {  	s7 =	simm.s32 $0x2;
	s12 =	simm.s32 $0x0;
	s1 =	ssub.s32 $0x1000, s2  }
0x7: {  	s8 =	simm.s32 $0x8000;
	s13 =	simm.s32 $0x0;
	s3 =	sand.u32 $0xF80, s1  }
0x8: {  	s9 =	simm.s32 $0x0;
	s5 =	sshrl.u32 s1, $0xC;
	p0 =	sne.s32 s3, $0x0  }
.Ltmp0:
0x9: {  	s1 =	rddreg [dreg:$0x2];
	s4 =	simm.s32 @!p0 $0x0;
	(pc) =	sbr.rel .LBB1_1-.Ltmp0, $4  }
0xa: {  	s11 =	simm.s32 $0x0;
	s3 =	rddreg [dreg:$0x1];
	s5 =	sadd.s32 s4, s5  }
0xb: {  	_ =	strace $0x8000004A;
	s4 =	simm.s32 $0x1;
	s5 =	smul.u32 $0xC8, s5  }
0xc: {  	s6 =	sadd.s32 $0xA00, s6;
	s10 =	smov.u32 s2;
	[sflag:s4] =	ssyncpa.u1 $0x0  }
0xd: {  	p0 =	por $0x0, $0x0;
	[sflag:s7] =	ssyncpa.u1 $0x0;
	s7 =	sor.u32 $0x1, s5  }
.LBB1_4:
0xe: {  	s16 =	sshll.u32 s13, $0x3;
	s17 =	sand.u32 $0x78, s13  }
0xf: {  	s30 =	sand.u32 $0x7E00, s13;
	s12 =	sshll.u32 s12, $0xF;
	s16 =	sand.u32 $0xC00, s16  }
0x10: {  	[tilespmem:s15+$0x810 ss:$0x81] =	vst.msk $0xffff, v2;
	s31 =	sand.u32 $0x7, s13;
	s16 =	sor.u32 s17, s16;
	s17 =	sadd.s32 s3, s30  }
0x11: {  	[tilespmem:s15+$0x1020 ss:$0x81] =	vst.msk $0xffff, v0;
	s13 =	sshll.u32 s31, $0x12;
	s12 =	sadd.s32 s12, s17;
	s16 =	sshrl.u32 s16, $0x3  }
0x12: {  	[tilespmem:s15+$0x0 ss:$0x81] =	vst.msk $0xffff, v1;
	s13 =	sor.u32 $0x400, s13;
	s12 =	sadd.s32 s16, s12  }
0x13: {  	[hbm4b:s12+s13] =	stream.strided.scatter [tilespmem:s14], [sflag:$0x2], $0x2000, s8, s13, $0x20;
	[tilespmem:$0x8080] =	vst v63  }
.LBB1_5:
0x14: {  	s14 =	sadd.s32 $0x1, s9  }
0x15: {  	s12 =	sadd.s32 $0x1000, s10;
	s16 =	smov.u32 s10;
	p2 =	sgt.s32 s14, $0xC7  }
0x16: {  	s16 =	smov.u32 @p2 s12  }
0x17: {  	s14 =	simm.s32 @p2 $0x0;
	p2 =	sgt.s32 s16, $0xFFF  }
0x18: {  	s16 =	smov.u32 @p2 s2;
	p2 =	sne.s32 s11, s7  }
.Ltmp1:
0x19: {  	p1 =	slt.u32 s11, $0x2;
	(pc) =	sbr.rel @!p2 .LBB1_6-.Ltmp1, $4  }
0x1a: {  	s15 =	simm.s32 @!p1 $0x2  }
0x1b: {  	s13 =	smov.u32 s10;
	p0 =	por !p0, !p0;
	_ =	swait.ge @!p1 [sflag:s15], $0x2000  }
0x1c: {  	s12 =	smov.u32 s9;
	[sflag:s15] =	ssyncset.done @!p1 $0x0;
	s9 =	smov.u32 s14  }
0x1d: {  	s11 =	sadd.s32 $0x1, s11;
	[sflag:s15] =	ssyncadd.s32 @!p1 $0xFFFFE000;
	s10 =	smov.u32 s16  }
.LBB1_1:
0x1e: {  	p1 =	sge.u32 s11, s5  }
0x1f: {  	s14 =	sand.u32 @!p1 $0x1FFFFFF, s9  }
0x20: {  	s15 =	smulhi.u32 @!p1 $0x147AE15, s14;
	_ =	sdelay $0x1  }
0x21: {  	s15 =	smul.u32 @!p1 $0xC8, s15  }
0x22: {  	s16 =	sxor.u32 @!p1 $0xFFFFFFFF, s11;
	s17 =	smul.u32 @!p1 $0xC80, s10  }
0x23: {  	s31 =	sadd.s32 $0xFFFFFFFF, s11;
	s16 =	sshll.u32 @!p1 s16, $0xD;
	s14 =	ssub.s32 @!p1 s14, s15  }
0x24: {  	s15 =	sand.u32 @!p1 $0x2000, s16;
	s16 =	sadd.s32 @!p1 s6, s17;
	s14 =	sshll.u32 @!p1 s14, $0x4  }
0x25: {  	s17 =	simm.s32 @!p1 $0x6400;
	s14 =	sadd.s32 @!p1 s14, s16;
	s16 =	simm.s32 @!p1 $0x40  }
0x26: {  	[tilespmem:s15], [sflag:$0x1] =	stream.strided.gather @!p1 [hbm4b:s14+s16], $0x2000, s17, s16, $0x38;
	[tilespmem:$0x8080] =	vst v63  }
0x27: {  	p1 =	sge.u32 s31, s5  }
.Ltmp2:
0x28: {  	_ = 	snop;
	(pc) =	sbr.rel @p1 .LBB1_5-.Ltmp2, $1  }
0x29: {  	_ =	sdelay $0x3  }
0x2a: {  	s14 =	simm.s32 $0x1  }
0x2b: {  	_ =	swait.ge [sflag:s4], $0x2000;
	s14 =	simm.s32 @!p0 $0x0  }
0x2c: {  	[sflag:s4] =	ssyncset.done $0x0;
	s15 =	sshll.u32 s14, $0xD  }
0x2d: {  	[sflag:s4] =	ssyncadd.s32 $0xFFFFE000;
	s18 =	sor.u32 $0x20, s15  }
0x2e: {  	s14 =	smul.u32 $0x8100, s14;
	v3 =	vld [tilespmem:s18+$0x10]  }
0x2f: {  	s30 =	sand.u32 $0x1, s11;
	v2 =	vld [tilespmem:s18+$0xFFFFFFF0]  }
0x30: {  	s15 =	smul.u32 $0x8100, s30;
	s14 =	sshrl.u32 s14, $0x2;
	v0 =	vld [tilespmem:s18+$0x0]  }
0x31: {  	v1 =	vld [tilespmem:s18+$0xFFFFFFE0];
	s16 =	sor.u32 $0x4000, s14  }
0x32: {  	s31 =	sshrl.u32 s15, $0x2;
	s15 =	sadd.s32 $0x0, s16  }
0x33: {  	s17 =	simm.s32 $0x4;
	s18 =	sadd.s32 $0x40, s18;
	s14 =	sor.u32 $0x4000, s31;
	[tilespmem:s15+$0x1830 ss:$0x81] =	vst.msk $0xffff, v3  }
.LBB1_3:
0x34: {  	v3 =	vld [tilespmem:s18+$0x10];
	p1 =	sne.s32 s17, $0x1FC;
	[tilespmem:s15+$0x810 ss:$0x81] =	vst.msk $0xffff, v2;
	s19 =	smov.u32 s17;
	s17 =	sadd.s32 $0x4, s17  }
.Ltmp3:
0x35: {  	v2 =	vld [tilespmem:s18+$0xFFFFFFF0];
	[tilespmem:s15+$0x1020 ss:$0x81] =	vst.msk $0xffff, v0;
	(pc) =	sbr.rel @p1 .LBB1_3-.Ltmp3, $4  }
0x36: {  	v0 =	vld [tilespmem:s18+$0x0];
	[tilespmem:s15+$0x0 ss:$0x81] =	vst.msk $0xffff, v1  }
0x37: {  	s15 =	sshra.s32 s19, $0x2;
	v1 =	vld [tilespmem:s18+$0xFFFFFFE0]  }
0x38: {  	s15 =	sadd.s32 s15, s16  }
0x39: {  	s18 =	sadd.s32 $0x40, s18;
	[tilespmem:s15+$0x1830 ss:$0x81] =	vst.msk $0xffff, v3  }
.Ltmp4:
0x3a: {  	_ = 	snop;
	(pc) =	sbr.rel .LBB1_4-.Ltmp4, $1  }
0x3b: {  	_ =	sdelay $0x3  }
.LBB1_6:
0x3c: {  	_ =	sfence.sel $0x180000  }
0x3d: {  	s2 =	simm.s32 $0x1;
	[bflag:$0x0] =	sbarrier.arrive $0xFFFF  }
0x3e: {  	s31 =	simm.s32 $0x2;
	[sflag:s2] =	ssyncpa.u1 $0x1  }
0x3f: {  	[sflag:s31] =	ssyncpa.u1 $0x1  }
0x40: {  	p0 =	sne.s32 s0, $0x0;
	_ =	strace $0x9000004A  }
0x41: {  	s0 =	sadd.s32 @!p0 $0x100000, s1;
	[bflag:$0x2] =	sbarrier.arrive $0xFFFF  }
0x42: {  	[sflag:s0] =	ssyncadd.tile.s32 @!p0 $0x1;
	_ =	shalt  }
.Lfunc_end1:
_tile_overlayer_lowered:
.L_overlay_start_2:
0x43: {  	(tag) =	ssettag $0x2  }
0x44: {  	s0 =	rddreg [dreg:$0x0];
	s2 =	stileid.u32  }
0x45: {  	s1 =	rddreg [dreg:$0x1];
	p0 =	sne.s32 s2, $0x0  }
0x46: {  	s3 =	rddreg [dreg:$0x2];
	[bflag:$0x3] =	sbarrier.arrive $0xFFFF;
	s2 =	simm.s32 @!p0 $0x1C01  }
0x47: {  	[timem:s3], [sflag:s2] =	dma.local @!p0 [hbm:s0], s1  }
0x48: {  	s0 =	simm.s32 @!p0 $0x1  }
0x49: {  	_ =	swait.ge @!p0 [sflag:s0], s1  }
0x4a: {  	s1 =	ssub.s32 @!p0 $0x0, s1;
	[sflag:s0] =	ssyncset.done @!p0 $0x0  }
0x4b: {  	[sflag:s0] =	ssyncadd.s32 @!p0 s1  }
0x4c: {  	[bflag:$0x3] =	sbarrier.arrive $0xFFFF  }
0x4d: {  	_ =	shalt  }

</sc_bundles>
